<compile_context>
chip_gen: v7x
topology: tpu7x:2x2x1
jax: 0.10.2.dev20260603
libtpu: 0.0.44.dev20260713+nightly
codegen_flags: <defaults>
</compile_context>

<pallas_src>
import functools

import jax
import jax.numpy as jnp
from jax import lax
from jax.experimental import pallas as pl
from jax.experimental.pallas import tpu as pltpu
from jax.experimental.pallas import tpu_sc as plsc

B, L = 16384, 16
V, D = 100000, 768

NC, NS = 2, 16
NW = NC * NS
B_PER_W = B // NW
CHUNK = 64
SIZES = (32,) + (64,) * 7 + (32,)
OFFS = tuple(sum(SIZES[:j]) for j in range(len(SIZES)))
NCHUNK = len(SIZES)
NBUF = 2
INFLIGHT = 2

_mesh = plsc.VectorSubcoreMesh(core_axis_name="c", subcore_axis_name="s")


@functools.partial(
    pl.kernel,
    mesh=_mesh,
    compiler_params=pltpu.CompilerParams(needs_layout_passes=False),
    out_type=(
        jax.ShapeDtypeStruct((B, D), jnp.float32),
        jax.ShapeDtypeStruct((B,), jnp.float32),
    ),
    scratch_types=[
        pltpu.VMEM((B_PER_W,), jnp.int32),
        pltpu.VMEM((NBUF, CHUNK, D), jnp.float32),
        pltpu.VMEM((B_PER_W,), jnp.float32),
        pltpu.VMEM_SHARED((V,), jnp.float32),
        [pltpu.SemaphoreType.DMA] * NBUF,
        [pltpu.SemaphoreType.DMA] * NBUF,
        pltpu.SemaphoreType.DMA,
    ],
)
def _gather_kernel(ids_hbm, table_hbm, bias_hbm, out_hbm,
                   bias_out_hbm, idx_v, rows_v, bias_v, bias_sp,
                   gsems, wsems, semb):
    sid = lax.axis_index("s")
    wid = sid * NC + lax.axis_index("c")
    base = wid * B_PER_W

    pltpu.sync_copy(ids_hbm.at[pl.ds(base, B_PER_W)], idx_v)

    def start_gather(j):
        return pltpu.async_copy(
            table_hbm.at[idx_v.at[pl.ds(OFFS[j], SIZES[j])]],
            rows_v.at[j % NBUF, pl.ds(0, SIZES[j])], gsems[j % NBUF])

    def start_write(j):
        return pltpu.async_copy(
            rows_v.at[j % NBUF, pl.ds(0, SIZES[j])],
            out_hbm.at[pl.ds(base + OFFS[j], SIZES[j])], wsems[j % NBUF])

    g = {j: start_gather(j) for j in range(INFLIGHT)}

    @pl.when(sid == 0)
    def _():
        pltpu.sync_copy(bias_hbm, bias_sp)
    plsc.subcore_barrier()

    bias_copies = [
        pltpu.async_copy(bias_sp.at[idx_v.at[pl.ds(q * 128, 128)]],
                         bias_v.at[pl.ds(q * 128, 128)], semb)
        for q in range(B_PER_W // 128)
    ]

    w = {}
    for j in range(NCHUNK):
        g[j].wait()
        w[j] = start_write(j)
        k = j + INFLIGHT
        if k < NCHUNK:
            if k - NBUF >= 0:
                w[k - NBUF].wait()
            g[k] = start_gather(k)
    waited = {k - NBUF for k in range(INFLIGHT, NCHUNK) if k - NBUF >= 0}
    for j in range(NCHUNK):
        if j not in waited:
            w[j].wait()

    for c in bias_copies:
        c.wait()
    pltpu.sync_copy(bias_v, bias_out_hbm.at[pl.ds(base, B_PER_W)])


def kernel(target_surface_forms, target_priors, input_embeddings, bias):
    del target_priors
    ids = target_surface_forms[:, 0].astype(jnp.int32)
    emb, b = _gather_kernel(ids, input_embeddings, bias.reshape(V))
    return emb, b

# --- scband reference (transcript-rebuilt; emitter-appended) ---
"""Pipeline reference for scband-passthrough-hypernet-16707422781871 (READ-ONLY COPY).

The authoritative reference and input builder live on the scoring server;
editing this copy changes nothing except your own understanding.
"""

import jax, jax.numpy as jnp
import numpy as np

B, L = 16384, 16
V, D = 100000, 768

def setup_inputs(seed: int = 0) -> dict:
    key = jax.random.key(seed)
    k1, k2, k3, k4 = jax.random.split(key, 4)
    target_surface_forms = jax.random.randint(k1, (B, L), 0, V)
    target_priors = jax.random.normal(k2, (B,), dtype=jnp.float32)
    input_embeddings = jax.random.normal(k3, (V, D), dtype=jnp.float32) * 0.02
    bias = jax.random.normal(k4, (V, 1), dtype=jnp.float32) * 0.02
    return {
        "target_surface_forms": target_surface_forms,
        "target_priors": target_priors,
        "input_embeddings": input_embeddings,
        "bias": bias,
    }

def reference(target_surface_forms, target_priors, input_embeddings, bias):
    # PassthroughHypernet.__call__: embed the first token of each surface form.
    ids = target_surface_forms[..., 0]
    predicted_embeddings_in = jnp.take(input_embeddings, ids, axis=0)
    # has_separate_out_embeddings is False (not set in config) -> predicted_embeddings_out is None
    # hn_predict_bias is True -> bias embedding lookup, squeeze last dim
    predicted_bias = jnp.take(bias, ids, axis=0)[..., 0]
    return (predicted_embeddings_in, predicted_bias)

if __name__ == "__main__":
    import jax
    _d = setup_inputs()
    print(jax.jit(kernel)(*tuple(_d.values())))

</pallas_src>

<mosaic_0001>
#map = affine_map<(d0, d1) -> (0)>
#map1 = affine_map<(d0, d1) -> (0, 0)>
module attributes {stable_mosaic.version = 14 : i64} {
  func.func @_gather_kernel(%arg0: i32, %arg1: i32, %arg2: memref<16384xi32, #tpu.memory_space<hbm>>, %arg3: memref<100000x768xf32, #tpu.memory_space<hbm>>, %arg4: memref<100000xf32, #tpu.memory_space<hbm>>, %arg5: memref<16384x768xf32, #tpu.memory_space<hbm>>, %arg6: memref<16384xf32, #tpu.memory_space<hbm>>, %arg7: memref<512xi32, #tpu.memory_space<vmem>>, %arg8: memref<2x64x768xf32, #tpu.memory_space<vmem>>, %arg9: memref<512xf32, #tpu.memory_space<vmem>>, %arg10: memref<100000xf32, #tpu.memory_space<vmem_shared>>, %arg11: memref<!tpu.dma_semaphore, #tpu.memory_space<semaphore_mem>>, %arg12: memref<!tpu.dma_semaphore, #tpu.memory_space<semaphore_mem>>, %arg13: memref<!tpu.dma_semaphore, #tpu.memory_space<semaphore_mem>>, %arg14: memref<!tpu.dma_semaphore, #tpu.memory_space<semaphore_mem>>, %arg15: memref<!tpu.dma_semaphore, #tpu.memory_space<semaphore_mem>>) attributes {dimension_semantics = [#tpu.dimension_semantics<core_parallel>, #tpu.dimension_semantics<subcore_parallel>], iteration_bounds = array<i64: 2, 16>, scalar_prefetch = 0 : i64, scratch_operands = 9 : i64, tpu.core_type = #tpu.core_type<sc_vector_subcore>, window_params = [{transform_indices = #map}, {transform_indices = #map1}, {transform_indices = #map}, {transform_indices = #map1}, {transform_indices = #map}]} {
    %mul3A = arith.constant 2 : i32
    %mul3A_0 = arith.muli %arg1, %mul3A : i32
    %add3A = arith.addi %mul3A_0, %arg0 : i32
    %mul3A_1 = arith.constant 512 : i32
    %mul3A_2 = arith.muli %add3A, %mul3A_1 : i32
    "tpu.region"() ({
      %run_scoped3A = tpu.sem_alloc : memref<!tpu.dma_semaphore, #tpu.memory_space<semaphore_mem>>
      %dma_start3A_483 = tpu.memref_slice %arg2[%mul3A_2] : memref<16384xi32, #tpu.memory_space<hbm>> -> memref<512xi32, #tpu.memory_space<hbm>>
      %dma_start3A_484 = tpu.memref_slice %arg2[%mul3A_2] : memref<16384xi32, #tpu.memory_space<hbm>> -> memref<512xi32, #tpu.memory_space<hbm>>
      tpu.enqueue_dma source(%dma_start3A_484 : memref<512xi32, #tpu.memory_space<hbm>>) target(%arg7 : memref<512xi32, #tpu.memory_space<vmem>>) target_semaphore(%run_scoped3A : memref<!tpu.dma_semaphore, #tpu.memory_space<semaphore_mem>>)
      %dma_wait3A_485 = tpu.memref_slice %arg2[%mul3A_2] : memref<16384xi32, #tpu.memory_space<hbm>> -> memref<512xi32, #tpu.memory_space<hbm>>
      %dma_wait3A_486 = tpu.memref_slice %arg2[%mul3A_2] : memref<16384xi32, #tpu.memory_space<hbm>> -> memref<512xi32, #tpu.memory_space<hbm>>
      tpu.wait_dma2 semaphore(%run_scoped3A : memref<!tpu.dma_semaphore, #tpu.memory_space<semaphore_mem>>) src(%dma_wait3A_486 : memref<512xi32, #tpu.memory_space<hbm>>) dst(%arg7 : memref<512xi32, #tpu.memory_space<vmem>>)
      tpu.yield
    }) : () -> ()
    %dma_start3A = arith.constant 0 : i32
    %dma_start3A_3 = arith.constant 0 : i32
    %dma_start3A_4 = arith.constant 0 : i32
    %dma_start3A_5 = tpu.memref_slice %arg8[%dma_start3A, %dma_start3A_3, %dma_start3A_4] : memref<2x64x768xf32, #tpu.memory_space<vmem>> -> memref<1x32x768xf32, #tpu.memory_space<vmem>>
    %dma_start3A_6 = tpu.memref_squeeze %dma_start3A_5 : memref<1x32x768xf32, #tpu.memory_space<vmem>> -> memref<32x768xf32, #tpu.memory_space<vmem>>
    %dma_start3A_7 = arith.constant 0 : i32
    %dma_start3A_8 = tpu.memref_slice %arg7[%dma_start3A_7] : memref<512xi32, #tpu.memory_space<vmem>> -> memref<32xi32, #tpu.memory_space<vmem>>
    %dma_start3A_9 = arith.constant 0 : i32
    %dma_start3A_10 = arith.constant 0 : i32
    %dma_start3A_11 = tpu.memref_slice %arg3[%dma_start3A_9, %dma_start3A_10] : memref<100000x768xf32, #tpu.memory_space<hbm>> -> memref<100000x768xf32, #tpu.memory_space<hbm>>
    tpu.enqueue_indirect_dma source(%dma_start3A_11 : memref<100000x768xf32, #tpu.memory_space<hbm>>) target(%dma_start3A_6 : memref<32x768xf32, #tpu.memory_space<vmem>>) offsets(%dma_start3A_8 : memref<32xi32, #tpu.memory_space<vmem>>) semaphore(%arg11 : memref<!tpu.dma_semaphore, #tpu.memory_space<semaphore_mem>>)
    %dma_start3A_12 = arith.constant 1 : i32
    %dma_start3A_13 = arith.constant 0 : i32
    %dma_start3A_14 = arith.constant 0 : i32
    %dma_start3A_15 = tpu.memref_slice %arg8[%dma_start3A_12, %dma_start3A_13, %dma_start3A_14] : memref<2x64x768xf32, #tpu.memory_space<vmem>> -> memref<1x64x768xf32, #tpu.memory_space<vmem>>
    %dma_start3A_16 = tpu.memref_squeeze %dma_start3A_15 : memref<1x64x768xf32, #tpu.memory_space<vmem>> -> memref<64x768xf32, #tpu.memory_space<vmem>>
    %dma_start3A_17 = arith.constant 32 : i32
    %dma_start3A_18 = tpu.memref_slice %arg7[%dma_start3A_17] : memref<512xi32, #tpu.memory_space<vmem>> -> memref<64xi32, #tpu.memory_space<vmem>>
    %dma_start3A_19 = arith.constant 0 : i32
    %dma_start3A_20 = arith.constant 0 : i32
    %dma_start3A_21 = tpu.memref_slice %arg3[%dma_start3A_19, %dma_start3A_20] : memref<100000x768xf32, #tpu.memory_space<hbm>> -> memref<100000x768xf32, #tpu.memory_space<hbm>>
    tpu.enqueue_indirect_dma source(%dma_start3A_21 : memref<100000x768xf32, #tpu.memory_space<hbm>>) target(%dma_start3A_16 : memref<64x768xf32, #tpu.memory_space<vmem>>) offsets(%dma_start3A_18 : memref<64xi32, #tpu.memory_space<vmem>>) semaphore(%arg12 : memref<!tpu.dma_semaphore, #tpu.memory_space<semaphore_mem>>)
    %eq3A = arith.constant 0 : i32
    %eq3A_22 = arith.cmpi eq, %arg1, %eq3A : i32
    %convert_element_type3A = arith.extui %eq3A_22 : i1 to i32
    %cond3A = arith.constant 0 : i32
    %cond3A_23 = arith.cmpi ne, %convert_element_type3A, %cond3A : i32
    scf.if %cond3A_23 {
      "tpu.region"() ({
        %run_scoped3A = tpu.sem_alloc : memref<!tpu.dma_semaphore, #tpu.memory_space<semaphore_mem>>
        tpu.enqueue_dma source(%arg4 : memref<100000xf32, #tpu.memory_space<hbm>>) target(%arg10 : memref<100000xf32, #tpu.memory_space<vmem_shared>>) target_semaphore(%run_scoped3A : memref<!tpu.dma_semaphore, #tpu.memory_space<semaphore_mem>>)
        tpu.wait_dma2 semaphore(%run_scoped3A : memref<!tpu.dma_semaphore, #tpu.memory_space<semaphore_mem>>) src(%arg4 : memref<100000xf32, #tpu.memory_space<hbm>>) dst(%arg10 : memref<100000xf32, #tpu.memory_space<vmem_shared>>)
        tpu.yield
      }) : () -> ()
    } else {
    }
    %barrier3A = arith.constant 0 : index
    tpu.barrier barrier_id(%barrier3A)
    %dma_start3A_24 = arith.constant 0 : i32
    %dma_start3A_25 = tpu.memref_slice %arg9[%dma_start3A_24] : memref<512xf32, #tpu.memory_space<vmem>> -> memref<128xf32, #tpu.memory_space<vmem>>
    %dma_start3A_26 = arith.constant 0 : i32
    %dma_start3A_27 = tpu.memref_slice %arg7[%dma_start3A_26] : memref<512xi32, #tpu.memory_space<vmem>> -> memref<128xi32, #tpu.memory_space<vmem>>
    %dma_start3A_28 = arith.constant 0 : i32
    %dma_start3A_29 = tpu.memref_slice %arg10[%dma_start3A_28] : memref<100000xf32, #tpu.memory_space<vmem_shared>> -> memref<100000xf32, #tpu.memory_space<vmem_shared>>
    tpu.enqueue_indirect_dma source(%dma_start3A_29 : memref<100000xf32, #tpu.memory_space<vmem_shared>>) target(%dma_start3A_25 : memref<128xf32, #tpu.memory_space<vmem>>) offsets(%dma_start3A_27 : memref<128xi32, #tpu.memory_space<vmem>>) semaphore(%arg15 : memref<!tpu.dma_semaphore, #tpu.memory_space<semaphore_mem>>)
    %dma_start3A_30 = arith.constant 128 : i32
    %dma_start3A_31 = tpu.memref_slice %arg9[%dma_start3A_30] : memref<512xf32, #tpu.memory_space<vmem>> -> memref<128xf32, #tpu.memory_space<vmem>>
    %dma_start3A_32 = arith.constant 128 : i32
    %dma_start3A_33 = tpu.memref_slice %arg7[%dma_start3A_32] : memref<512xi32, #tpu.memory_space<vmem>> -> memref<128xi32, #tpu.memory_space<vmem>>
    %dma_start3A_34 = arith.constant 0 : i32
    %dma_start3A_35 = tpu.memref_slice %arg10[%dma_start3A_34] : memref<100000xf32, #tpu.memory_space<vmem_shared>> -> memref<100000xf32, #tpu.memory_space<vmem_shared>>
    tpu.enqueue_indirect_dma source(%dma_start3A_35 : memref<100000xf32, #tpu.memory_space<vmem_shared>>) target(%dma_start3A_31 : memref<128xf32, #tpu.memory_space<vmem>>) offsets(%dma_start3A_33 : memref<128xi32, #tpu.memory_space<vmem>>) semaphore(%arg15 : memref<!tpu.dma_semaphore, #tpu.memory_space<semaphore_mem>>)
    %dma_start3A_36 = arith.constant 256 : i32
    %dma_start3A_37 = tpu.memref_slice %arg9[%dma_start3A_36] : memref<512xf32, #tpu.memory_space<vmem>> -> memref<128xf32, #tpu.memory_space<vmem>>
    %dma_start3A_38 = arith.constant 256 : i32
    %dma_start3A_39 = tpu.memref_slice %arg7[%dma_start3A_38] : memref<512xi32, #tpu.memory_space<vmem>> -> memref<128xi32, #tpu.memory_space<vmem>>
    %dma_start3A_40 = arith.constant 0 : i32
    %dma_start3A_41 = tpu.memref_slice %arg10[%dma_start3A_40] : memref<100000xf32, #tpu.memory_space<vmem_shared>> -> memref<100000xf32, #tpu.memory_space<vmem_shared>>
    tpu.enqueue_indirect_dma source(%dma_start3A_41 : memref<100000xf32, #tpu.memory_space<vmem_shared>>) target(%dma_start3A_37 : memref<128xf32, #tpu.memory_space<vmem>>) offsets(%dma_start3A_39 : memref<128xi32, #tpu.memory_space<vmem>>) semaphore(%arg15 : memref<!tpu.dma_semaphore, #tpu.memory_space<semaphore_mem>>)
    %dma_start3A_42 = arith.constant 384 : i32
    %dma_start3A_43 = tpu.memref_slice %arg9[%dma_start3A_42] : memref<512xf32, #tpu.memory_space<vmem>> -> memref<128xf32, #tpu.memory_space<vmem>>
    %dma_start3A_44 = arith.constant 384 : i32
    %dma_start3A_45 = tpu.memref_slice %arg7[%dma_start3A_44] : memref<512xi32, #tpu.memory_space<vmem>> -> memref<128xi32, #tpu.memory_space<vmem>>
    %dma_start3A_46 = arith.constant 0 : i32
    %dma_start3A_47 = tpu.memref_slice %arg10[%dma_start3A_46] : memref<100000xf32, #tpu.memory_space<vmem_shared>> -> memref<100000xf32, #tpu.memory_space<vmem_shared>>
    tpu.enqueue_indirect_dma source(%dma_start3A_47 : memref<100000xf32, #tpu.memory_space<vmem_shared>>) target(%dma_start3A_43 : memref<128xf32, #tpu.memory_space<vmem>>) offsets(%dma_start3A_45 : memref<128xi32, #tpu.memory_space<vmem>>) semaphore(%arg15 : memref<!tpu.dma_semaphore, #tpu.memory_space<semaphore_mem>>)
    %dma_wait3A = arith.constant 0 : i32
    %dma_wait3A_48 = arith.constant 0 : i32
    %dma_wait3A_49 = arith.constant 0 : i32
    %dma_wait3A_50 = tpu.memref_slice %arg8[%dma_wait3A, %dma_wait3A_48, %dma_wait3A_49] : memref<2x64x768xf32, #tpu.memory_space<vmem>> -> memref<1x32x768xf32, #tpu.memory_space<vmem>>
    %dma_wait3A_51 = tpu.memref_squeeze %dma_wait3A_50 : memref<1x32x768xf32, #tpu.memory_space<vmem>> -> memref<32x768xf32, #tpu.memory_space<vmem>>
    %dma_wait3A_52 = arith.constant 0 : i32
    %dma_wait3A_53 = tpu.memref_slice %arg7[%dma_wait3A_52] : memref<512xi32, #tpu.memory_space<vmem>> -> memref<32xi32, #tpu.memory_space<vmem>>
    %dma_wait3A_54 = arith.constant 0 : i32
    %dma_wait3A_55 = arith.constant 0 : i32
    %dma_wait3A_56 = tpu.memref_slice %arg3[%dma_wait3A_54, %dma_wait3A_55] : memref<100000x768xf32, #tpu.memory_space<hbm>> -> memref<100000x768xf32, #tpu.memory_space<hbm>>
    tpu.wait_indirect_dma semaphore(%arg11 : memref<!tpu.dma_semaphore, #tpu.memory_space<semaphore_mem>>) src(%dma_wait3A_56 : memref<100000x768xf32, #tpu.memory_space<hbm>>) dst(%dma_wait3A_51 : memref<32x768xf32, #tpu.memory_space<vmem>>)
    %add3A_57 = arith.constant 0 : i32
    %add3A_58 = arith.addi %mul3A_2, %add3A_57 : i32
    %dma_start3A_59 = arith.constant 0 : i32
    %dma_start3A_60 = arith.constant 0 : i32
    %dma_start3A_61 = arith.constant 0 : i32
    %dma_start3A_62 = tpu.memref_slice %arg8[%dma_start3A_59, %dma_start3A_60, %dma_start3A_61] : memref<2x64x768xf32, #tpu.memory_space<vmem>> -> memref<1x32x768xf32, #tpu.memory_space<vmem>>
    %dma_start3A_63 = tpu.memref_squeeze %dma_start3A_62 : memref<1x32x768xf32, #tpu.memory_space<vmem>> -> memref<32x768xf32, #tpu.memory_space<vmem>>
    %dma_start3A_64 = arith.constant 0 : i32
    %dma_start3A_65 = tpu.memref_slice %arg5[%add3A_58, %dma_start3A_64] : memref<16384x768xf32, #tpu.memory_space<hbm>> -> memref<32x768xf32, #tpu.memory_space<hbm>>
    %dma_start3A_66 = arith.constant 0 : i32
    %dma_start3A_67 = tpu.memref_slice %arg5[%add3A_58, %dma_start3A_66] : memref<16384x768xf32, #tpu.memory_space<hbm>> -> memref<32x768xf32, #tpu.memory_space<hbm>>
    %dma_start3A_68 = arith.constant 0 : i32
    %dma_start3A_69 = arith.constant 0 : i32
    %dma_start3A_70 = tpu.memref_slice %arg8[%dma_start3A_59, %dma_start3A_68, %dma_start3A_69] : memref<2x64x768xf32, #tpu.memory_space<vmem>> -> memref<1x32x768xf32, #tpu.memory_space<vmem>>
    %dma_start3A_71 = tpu.memref_squeeze %dma_start3A_70 : memref<1x32x768xf32, #tpu.memory_space<vmem>> -> memref<32x768xf32, #tpu.memory_space<vmem>>
    tpu.enqueue_dma source(%dma_start3A_71 : memref<32x768xf32, #tpu.memory_space<vmem>>) target(%dma_start3A_67 : memref<32x768xf32, #tpu.memory_space<hbm>>) target_semaphore(%arg13 : memref<!tpu.dma_semaphore, #tpu.memory_space<semaphore_mem>>)
    %dma_wait3A_72 = arith.constant 0 : i32
    %dma_wait3A_73 = arith.constant 0 : i32
    %dma_wait3A_74 = arith.constant 0 : i32
    %dma_wait3A_75 = tpu.memref_slice %arg8[%dma_wait3A_72, %dma_wait3A_73, %dma_wait3A_74] : memref<2x64x768xf32, #tpu.memory_space<vmem>> -> memref<1x32x768xf32, #tpu.memory_space<vmem>>
    %dma_wait3A_76 = tpu.memref_squeeze %dma_wait3A_75 : memref<1x32x768xf32, #tpu.memory_space<vmem>> -> memref<32x768xf32, #tpu.memory_space<vmem>>
    %dma_wait3A_77 = arith.constant 0 : i32
    %dma_wait3A_78 = tpu.memref_slice %arg5[%add3A_58, %dma_wait3A_77] : memref<16384x768xf32, #tpu.memory_space<hbm>> -> memref<32x768xf32, #tpu.memory_space<hbm>>
    %dma_wait3A_79 = arith.constant 0 : i32
    %dma_wait3A_80 = tpu.memref_slice %arg5[%add3A_58, %dma_wait3A_79] : memref<16384x768xf32, #tpu.memory_space<hbm>> -> memref<32x768xf32, #tpu.memory_space<hbm>>
    %dma_wait3A_81 = arith.constant 0 : i32
    %dma_wait3A_82 = arith.constant 0 : i32
    %dma_wait3A_83 = tpu.memref_slice %arg8[%dma_wait3A_72, %dma_wait3A_81, %dma_wait3A_82] : memref<2x64x768xf32, #tpu.memory_space<vmem>> -> memref<1x32x768xf32, #tpu.memory_space<vmem>>
    %dma_wait3A_84 = tpu.memref_squeeze %dma_wait3A_83 : memref<1x32x768xf32, #tpu.memory_space<vmem>> -> memref<32x768xf32, #tpu.memory_space<vmem>>
    tpu.wait_dma2 semaphore(%arg13 : memref<!tpu.dma_semaphore, #tpu.memory_space<semaphore_mem>>) src(%dma_wait3A_84 : memref<32x768xf32, #tpu.memory_space<vmem>>) dst(%dma_wait3A_80 : memref<32x768xf32, #tpu.memory_space<hbm>>)
    %dma_start3A_85 = arith.constant 0 : i32
    %dma_start3A_86 = arith.constant 0 : i32
    %dma_start3A_87 = arith.constant 0 : i32
    %dma_start3A_88 = tpu.memref_slice %arg8[%dma_start3A_85, %dma_start3A_86, %dma_start3A_87] : memref<2x64x768xf32, #tpu.memory_space<vmem>> -> memref<1x64x768xf32, #tpu.memory_space<vmem>>
    %dma_start3A_89 = tpu.memref_squeeze %dma_start3A_88 : memref<1x64x768xf32, #tpu.memory_space<vmem>> -> memref<64x768xf32, #tpu.memory_space<vmem>>
    %dma_start3A_90 = arith.constant 96 : i32
    %dma_start3A_91 = tpu.memref_slice %arg7[%dma_start3A_90] : memref<512xi32, #tpu.memory_space<vmem>> -> memref<64xi32, #tpu.memory_space<vmem>>
    %dma_start3A_92 = arith.constant 0 : i32
    %dma_start3A_93 = arith.constant 0 : i32
    %dma_start3A_94 = tpu.memref_slice %arg3[%dma_start3A_92, %dma_start3A_93] : memref<100000x768xf32, #tpu.memory_space<hbm>> -> memref<100000x768xf32, #tpu.memory_space<hbm>>
    tpu.enqueue_indirect_dma source(%dma_start3A_94 : memref<100000x768xf32, #tpu.memory_space<hbm>>) target(%dma_start3A_89 : memref<64x768xf32, #tpu.memory_space<vmem>>) offsets(%dma_start3A_91 : memref<64xi32, #tpu.memory_space<vmem>>) semaphore(%arg11 : memref<!tpu.dma_semaphore, #tpu.memory_space<semaphore_mem>>)
    %dma_wait3A_95 = arith.constant 1 : i32
    %dma_wait3A_96 = arith.constant 0 : i32
    %dma_wait3A_97 = arith.constant 0 : i32
    %dma_wait3A_98 = tpu.memref_slice %arg8[%dma_wait3A_95, %dma_wait3A_96, %dma_wait3A_97] : memref<2x64x768xf32, #tpu.memory_space<vmem>> -> memref<1x64x768xf32, #tpu.memory_space<vmem>>
    %dma_wait3A_99 = tpu.memref_squeeze %dma_wait3A_98 : memref<1x64x768xf32, #tpu.memory_space<vmem>> -> memref<64x768xf32, #tpu.memory_space<vmem>>
    %dma_wait3A_100 = arith.constant 32 : i32
    %dma_wait3A_101 = tpu.memref_slice %arg7[%dma_wait3A_100] : memref<512xi32, #tpu.memory_space<vmem>> -> memref<64xi32, #tpu.memory_space<vmem>>
    %dma_wait3A_102 = arith.constant 0 : i32
    %dma_wait3A_103 = arith.constant 0 : i32
    %dma_wait3A_104 = tpu.memref_slice %arg3[%dma_wait3A_102, %dma_wait3A_103] : memref<100000x768xf32, #tpu.memory_space<hbm>> -> memref<100000x768xf32, #tpu.memory_space<hbm>>
    tpu.wait_indirect_dma semaphore(%arg12 : memref<!tpu.dma_semaphore, #tpu.memory_space<semaphore_mem>>) src(%dma_wait3A_104 : memref<100000x768xf32, #tpu.memory_space<hbm>>) dst(%dma_wait3A_99 : memref<64x768xf32, #tpu.memory_space<vmem>>)
    %add3A_105 = arith.constant 32 : i32
    %add3A_106 = arith.addi %mul3A_2, %add3A_105 : i32
    %dma_start3A_107 = arith.constant 1 : i32
    %dma_start3A_108 = arith.constant 0 : i32
    %dma_start3A_109 = arith.constant 0 : i32
    %dma_start3A_110 = tpu.memref_slice %arg8[%dma_start3A_107, %dma_start3A_108, %dma_start3A_109] : memref<2x64x768xf32, #tpu.memory_space<vmem>> -> memref<1x64x768xf32, #tpu.memory_space<vmem>>
    %dma_start3A_111 = tpu.memref_squeeze %dma_start3A_110 : memref<1x64x768xf32, #tpu.memory_space<vmem>> -> memref<64x768xf32, #tpu.memory_space<vmem>>
    %dma_start3A_112 = arith.constant 0 : i32
    %dma_start3A_113 = tpu.memref_slice %arg5[%add3A_106, %dma_start3A_112] : memref<16384x768xf32, #tpu.memory_space<hbm>> -> memref<64x768xf32, #tpu.memory_space<hbm>>
    %dma_start3A_114 = arith.constant 0 : i32
    %dma_start3A_115 = tpu.memref_slice %arg5[%add3A_106, %dma_start3A_114] : memref<16384x768xf32, #tpu.memory_space<hbm>> -> memref<64x768xf32, #tpu.memory_space<hbm>>
    %dma_start3A_116 = arith.constant 0 : i32
    %dma_start3A_117 = arith.constant 0 : i32
    %dma_start3A_118 = tpu.memref_slice %arg8[%dma_start3A_107, %dma_start3A_116, %dma_start3A_117] : memref<2x64x768xf32, #tpu.memory_space<vmem>> -> memref<1x64x768xf32, #tpu.memory_space<vmem>>
    %dma_start3A_119 = tpu.memref_squeeze %dma_start3A_118 : memref<1x64x768xf32, #tpu.memory_space<vmem>> -> memref<64x768xf32, #tpu.memory_space<vmem>>
    tpu.enqueue_dma source(%dma_start3A_119 : memref<64x768xf32, #tpu.memory_space<vmem>>) target(%dma_start3A_115 : memref<64x768xf32, #tpu.memory_space<hbm>>) target_semaphore(%arg14 : memref<!tpu.dma_semaphore, #tpu.memory_space<semaphore_mem>>)
    %dma_wait3A_120 = arith.constant 1 : i32
    %dma_wait3A_121 = arith.constant 0 : i32
    %dma_wait3A_122 = arith.constant 0 : i32
    %dma_wait3A_123 = tpu.memref_slice %arg8[%dma_wait3A_120, %dma_wait3A_121, %dma_wait3A_122] : memref<2x64x768xf32, #tpu.memory_space<vmem>> -> memref<1x64x768xf32, #tpu.memory_space<vmem>>
    %dma_wait3A_124 = tpu.memref_squeeze %dma_wait3A_123 : memref<1x64x768xf32, #tpu.memory_space<vmem>> -> memref<64x768xf32, #tpu.memory_space<vmem>>
    %dma_wait3A_125 = arith.constant 0 : i32
    %dma_wait3A_126 = tpu.memref_slice %arg5[%add3A_106, %dma_wait3A_125] : memref<16384x768xf32, #tpu.memory_space<hbm>> -> memref<64x768xf32, #tpu.memory_space<hbm>>
    %dma_wait3A_127 = arith.constant 0 : i32
    %dma_wait3A_128 = tpu.memref_slice %arg5[%add3A_106, %dma_wait3A_127] : memref<16384x768xf32, #tpu.memory_space<hbm>> -> memref<64x768xf32, #tpu.memory_space<hbm>>
    %dma_wait3A_129 = arith.constant 0 : i32
    %dma_wait3A_130 = arith.constant 0 : i32
    %dma_wait3A_131 = tpu.memref_slice %arg8[%dma_wait3A_120, %dma_wait3A_129, %dma_wait3A_130] : memref<2x64x768xf32, #tpu.memory_space<vmem>> -> memref<1x64x768xf32, #tpu.memory_space<vmem>>
    %dma_wait3A_132 = tpu.memref_squeeze %dma_wait3A_131 : memref<1x64x768xf32, #tpu.memory_space<vmem>> -> memref<64x768xf32, #tpu.memory_space<vmem>>
    tpu.wait_dma2 semaphore(%arg14 : memref<!tpu.dma_semaphore, #tpu.memory_space<semaphore_mem>>) src(%dma_wait3A_132 : memref<64x768xf32, #tpu.memory_space<vmem>>) dst(%dma_wait3A_128 : memref<64x768xf32, #tpu.memory_space<hbm>>)
    %dma_start3A_133 = arith.constant 1 : i32
    %dma_start3A_134 = arith.constant 0 : i32
    %dma_start3A_135 = arith.constant 0 : i32
    %dma_start3A_136 = tpu.memref_slice %arg8[%dma_start3A_133, %dma_start3A_134, %dma_start3A_135] : memref<2x64x768xf32, #tpu.memory_space<vmem>> -> memref<1x64x768xf32, #tpu.memory_space<vmem>>
    %dma_start3A_137 = tpu.memref_squeeze %dma_start3A_136 : memref<1x64x768xf32, #tpu.memory_space<vmem>> -> memref<64x768xf32, #tpu.memory_space<vmem>>
    %dma_start3A_138 = arith.constant 160 : i32
    %dma_start3A_139 = tpu.memref_slice %arg7[%dma_start3A_138] : memref<512xi32, #tpu.memory_space<vmem>> -> memref<64xi32, #tpu.memory_space<vmem>>
    %dma_start3A_140 = arith.constant 0 : i32
    %dma_start3A_141 = arith.constant 0 : i32
    %dma_start3A_142 = tpu.memref_slice %arg3[%dma_start3A_140, %dma_start3A_141] : memref<100000x768xf32, #tpu.memory_space<hbm>> -> memref<100000x768xf32, #tpu.memory_space<hbm>>
    tpu.enqueue_indirect_dma source(%dma_start3A_142 : memref<100000x768xf32, #tpu.memory_space<hbm>>) target(%dma_start3A_137 : memref<64x768xf32, #tpu.memory_space<vmem>>) offsets(%dma_start3A_139 : memref<64xi32, #tpu.memory_space<vmem>>) semaphore(%arg12 : memref<!tpu.dma_semaphore, #tpu.memory_space<semaphore_mem>>)
    %dma_wait3A_143 = arith.constant 0 : i32
    %dma_wait3A_144 = arith.constant 0 : i32
    %dma_wait3A_145 = arith.constant 0 : i32
    %dma_wait3A_146 = tpu.memref_slice %arg8[%dma_wait3A_143, %dma_wait3A_144, %dma_wait3A_145] : memref<2x64x768xf32, #tpu.memory_space<vmem>> -> memref<1x64x768xf32, #tpu.memory_space<vmem>>
    %dma_wait3A_147 = tpu.memref_squeeze %dma_wait3A_146 : memref<1x64x768xf32, #tpu.memory_space<vmem>> -> memref<64x768xf32, #tpu.memory_space<vmem>>
    %dma_wait3A_148 = arith.constant 96 : i32
    %dma_wait3A_149 = tpu.memref_slice %arg7[%dma_wait3A_148] : memref<512xi32, #tpu.memory_space<vmem>> -> memref<64xi32, #tpu.memory_space<vmem>>
    %dma_wait3A_150 = arith.constant 0 : i32
    %dma_wait3A_151 = arith.constant 0 : i32
    %dma_wait3A_152 = tpu.memref_slice %arg3[%dma_wait3A_150, %dma_wait3A_151] : memref<100000x768xf32, #tpu.memory_space<hbm>> -> memref<100000x768xf32, #tpu.memory_space<hbm>>
    tpu.wait_indirect_dma semaphore(%arg11 : memref<!tpu.dma_semaphore, #tpu.memory_space<semaphore_mem>>) src(%dma_wait3A_152 : memref<100000x768xf32, #tpu.memory_space<hbm>>) dst(%dma_wait3A_147 : memref<64x768xf32, #tpu.memory_space<vmem>>)
    %add3A_153 = arith.constant 96 : i32
    %add3A_154 = arith.addi %mul3A_2, %add3A_153 : i32
    %dma_start3A_155 = arith.constant 0 : i32
    %dma_start3A_156 = arith.constant 0 : i32
    %dma_start3A_157 = arith.constant 0 : i32
    %dma_start3A_158 = tpu.memref_slice %arg8[%dma_start3A_155, %dma_start3A_156, %dma_start3A_157] : memref<2x64x768xf32, #tpu.memory_space<vmem>> -> memref<1x64x768xf32, #tpu.memory_space<vmem>>
    %dma_start3A_159 = tpu.memref_squeeze %dma_start3A_158 : memref<1x64x768xf32, #tpu.memory_space<vmem>> -> memref<64x768xf32, #tpu.memory_space<vmem>>
    %dma_start3A_160 = arith.constant 0 : i32
    %dma_start3A_161 = tpu.memref_slice %arg5[%add3A_154, %dma_start3A_160] : memref<16384x768xf32, #tpu.memory_space<hbm>> -> memref<64x768xf32, #tpu.memory_space<hbm>>
    %dma_start3A_162 = arith.constant 0 : i32
    %dma_start3A_163 = tpu.memref_slice %arg5[%add3A_154, %dma_start3A_162] : memref<16384x768xf32, #tpu.memory_space<hbm>> -> memref<64x768xf32, #tpu.memory_space<hbm>>
    %dma_start3A_164 = arith.constant 0 : i32
    %dma_start3A_165 = arith.constant 0 : i32
    %dma_start3A_166 = tpu.memref_slice %arg8[%dma_start3A_155, %dma_start3A_164, %dma_start3A_165] : memref<2x64x768xf32, #tpu.memory_space<vmem>> -> memref<1x64x768xf32, #tpu.memory_space<vmem>>
    %dma_start3A_167 = tpu.memref_squeeze %dma_start3A_166 : memref<1x64x768xf32, #tpu.memory_space<vmem>> -> memref<64x768xf32, #tpu.memory_space<vmem>>
    tpu.enqueue_dma source(%dma_start3A_167 : memref<64x768xf32, #tpu.memory_space<vmem>>) target(%dma_start3A_163 : memref<64x768xf32, #tpu.memory_space<hbm>>) target_semaphore(%arg13 : memref<!tpu.dma_semaphore, #tpu.memory_space<semaphore_mem>>)
    %dma_wait3A_168 = arith.constant 0 : i32
    %dma_wait3A_169 = arith.constant 0 : i32
    %dma_wait3A_170 = arith.constant 0 : i32
    %dma_wait3A_171 = tpu.memref_slice %arg8[%dma_wait3A_168, %dma_wait3A_169, %dma_wait3A_170] : memref<2x64x768xf32, #tpu.memory_space<vmem>> -> memref<1x64x768xf32, #tpu.memory_space<vmem>>
    %dma_wait3A_172 = tpu.memref_squeeze %dma_wait3A_171 : memref<1x64x768xf32, #tpu.memory_space<vmem>> -> memref<64x768xf32, #tpu.memory_space<vmem>>
    %dma_wait3A_173 = arith.constant 0 : i32
    %dma_wait3A_174 = tpu.memref_slice %arg5[%add3A_154, %dma_wait3A_173] : memref<16384x768xf32, #tpu.memory_space<hbm>> -> memref<64x768xf32, #tpu.memory_space<hbm>>
    %dma_wait3A_175 = arith.constant 0 : i32
    %dma_wait3A_176 = tpu.memref_slice %arg5[%add3A_154, %dma_wait3A_175] : memref<16384x768xf32, #tpu.memory_space<hbm>> -> memref<64x768xf32, #tpu.memory_space<hbm>>
    %dma_wait3A_177 = arith.constant 0 : i32
    %dma_wait3A_178 = arith.constant 0 : i32
    %dma_wait3A_179 = tpu.memref_slice %arg8[%dma_wait3A_168, %dma_wait3A_177, %dma_wait3A_178] : memref<2x64x768xf32, #tpu.memory_space<vmem>> -> memref<1x64x768xf32, #tpu.memory_space<vmem>>
    %dma_wait3A_180 = tpu.memref_squeeze %dma_wait3A_179 : memref<1x64x768xf32, #tpu.memory_space<vmem>> -> memref<64x768xf32, #tpu.memory_space<vmem>>
    tpu.wait_dma2 semaphore(%arg13 : memref<!tpu.dma_semaphore, #tpu.memory_space<semaphore_mem>>) src(%dma_wait3A_180 : memref<64x768xf32, #tpu.memory_space<vmem>>) dst(%dma_wait3A_176 : memref<64x768xf32, #tpu.memory_space<hbm>>)
    %dma_start3A_181 = arith.constant 0 : i32
    %dma_start3A_182 = arith.constant 0 : i32
    %dma_start3A_183 = arith.constant 0 : i32
    %dma_start3A_184 = tpu.memref_slice %arg8[%dma_start3A_181, %dma_start3A_182, %dma_start3A_183] : memref<2x64x768xf32, #tpu.memory_space<vmem>> -> memref<1x64x768xf32, #tpu.memory_space<vmem>>
    %dma_start3A_185 = tpu.memref_squeeze %dma_start3A_184 : memref<1x64x768xf32, #tpu.memory_space<vmem>> -> memref<64x768xf32, #tpu.memory_space<vmem>>
    %dma_start3A_186 = arith.constant 224 : i32
    %dma_start3A_187 = tpu.memref_slice %arg7[%dma_start3A_186] : memref<512xi32, #tpu.memory_space<vmem>> -> memref<64xi32, #tpu.memory_space<vmem>>
    %dma_start3A_188 = arith.constant 0 : i32
    %dma_start3A_189 = arith.constant 0 : i32
    %dma_start3A_190 = tpu.memref_slice %arg3[%dma_start3A_188, %dma_start3A_189] : memref<100000x768xf32, #tpu.memory_space<hbm>> -> memref<100000x768xf32, #tpu.memory_space<hbm>>
    tpu.enqueue_indirect_dma source(%dma_start3A_190 : memref<100000x768xf32, #tpu.memory_space<hbm>>) target(%dma_start3A_185 : memref<64x768xf32, #tpu.memory_space<vmem>>) offsets(%dma_start3A_187 : memref<64xi32, #tpu.memory_space<vmem>>) semaphore(%arg11 : memref<!tpu.dma_semaphore, #tpu.memory_space<semaphore_mem>>)
    %dma_wait3A_191 = arith.constant 1 : i32
    %dma_wait3A_192 = arith.constant 0 : i32
    %dma_wait3A_193 = arith.constant 0 : i32
    %dma_wait3A_194 = tpu.memref_slice %arg8[%dma_wait3A_191, %dma_wait3A_192, %dma_wait3A_193] : memref<2x64x768xf32, #tpu.memory_space<vmem>> -> memref<1x64x768xf32, #tpu.memory_space<vmem>>
    %dma_wait3A_195 = tpu.memref_squeeze %dma_wait3A_194 : memref<1x64x768xf32, #tpu.memory_space<vmem>> -> memref<64x768xf32, #tpu.memory_space<vmem>>
    %dma_wait3A_196 = arith.constant 160 : i32
    %dma_wait3A_197 = tpu.memref_slice %arg7[%dma_wait3A_196] : memref<512xi32, #tpu.memory_space<vmem>> -> memref<64xi32, #tpu.memory_space<vmem>>
    %dma_wait3A_198 = arith.constant 0 : i32
    %dma_wait3A_199 = arith.constant 0 : i32
    %dma_wait3A_200 = tpu.memref_slice %arg3[%dma_wait3A_198, %dma_wait3A_199] : memref<100000x768xf32, #tpu.memory_space<hbm>> -> memref<100000x768xf32, #tpu.memory_space<hbm>>
    tpu.wait_indirect_dma semaphore(%arg12 : memref<!tpu.dma_semaphore, #tpu.memory_space<semaphore_mem>>) src(%dma_wait3A_200 : memref<100000x768xf32, #tpu.memory_space<hbm>>) dst(%dma_wait3A_195 : memref<64x768xf32, #tpu.memory_space<vmem>>)
    %add3A_201 = arith.constant 160 : i32
    %add3A_202 = arith.addi %mul3A_2, %add3A_201 : i32
    %dma_start3A_203 = arith.constant 1 : i32
    %dma_start3A_204 = arith.constant 0 : i32
    %dma_start3A_205 = arith.constant 0 : i32
    %dma_start3A_206 = tpu.memref_slice %arg8[%dma_start3A_203, %dma_start3A_204, %dma_start3A_205] : memref<2x64x768xf32, #tpu.memory_space<vmem>> -> memref<1x64x768xf32, #tpu.memory_space<vmem>>
    %dma_start3A_207 = tpu.memref_squeeze %dma_start3A_206 : memref<1x64x768xf32, #tpu.memory_space<vmem>> -> memref<64x768xf32, #tpu.memory_space<vmem>>
    %dma_start3A_208 = arith.constant 0 : i32
    %dma_start3A_209 = tpu.memref_slice %arg5[%add3A_202, %dma_start3A_208] : memref<16384x768xf32, #tpu.memory_space<hbm>> -> memref<64x768xf32, #tpu.memory_space<hbm>>
    %dma_start3A_210 = arith.constant 0 : i32
    %dma_start3A_211 = tpu.memref_slice %arg5[%add3A_202, %dma_start3A_210] : memref<16384x768xf32, #tpu.memory_space<hbm>> -> memref<64x768xf32, #tpu.memory_space<hbm>>
    %dma_start3A_212 = arith.constant 0 : i32
    %dma_start3A_213 = arith.constant 0 : i32
    %dma_start3A_214 = tpu.memref_slice %arg8[%dma_start3A_203, %dma_start3A_212, %dma_start3A_213] : memref<2x64x768xf32, #tpu.memory_space<vmem>> -> memref<1x64x768xf32, #tpu.memory_space<vmem>>
    %dma_start3A_215 = tpu.memref_squeeze %dma_start3A_214 : memref<1x64x768xf32, #tpu.memory_space<vmem>> -> memref<64x768xf32, #tpu.memory_space<vmem>>
    tpu.enqueue_dma source(%dma_start3A_215 : memref<64x768xf32, #tpu.memory_space<vmem>>) target(%dma_start3A_211 : memref<64x768xf32, #tpu.memory_space<hbm>>) target_semaphore(%arg14 : memref<!tpu.dma_semaphore, #tpu.memory_space<semaphore_mem>>)
    %dma_wait3A_216 = arith.constant 1 : i32
    %dma_wait3A_217 = arith.constant 0 : i32
    %dma_wait3A_218 = arith.constant 0 : i32
    %dma_wait3A_219 = tpu.memref_slice %arg8[%dma_wait3A_216, %dma_wait3A_217, %dma_wait3A_218] : memref<2x64x768xf32, #tpu.memory_space<vmem>> -> memref<1x64x768xf32, #tpu.memory_space<vmem>>
    %dma_wait3A_220 = tpu.memref_squeeze %dma_wait3A_219 : memref<1x64x768xf32, #tpu.memory_space<vmem>> -> memref<64x768xf32, #tpu.memory_space<vmem>>
    %dma_wait3A_221 = arith.constant 0 : i32
    %dma_wait3A_222 = tpu.memref_slice %arg5[%add3A_202, %dma_wait3A_221] : memref<16384x768xf32, #tpu.memory_space<hbm>> -> memref<64x768xf32, #tpu.memory_space<hbm>>
    %dma_wait3A_223 = arith.constant 0 : i32
    %dma_wait3A_224 = tpu.memref_slice %arg5[%add3A_202, %dma_wait3A_223] : memref<16384x768xf32, #tpu.memory_space<hbm>> -> memref<64x768xf32, #tpu.memory_space<hbm>>
    %dma_wait3A_225 = arith.constant 0 : i32
    %dma_wait3A_226 = arith.constant 0 : i32
    %dma_wait3A_227 = tpu.memref_slice %arg8[%dma_wait3A_216, %dma_wait3A_225, %dma_wait3A_226] : memref<2x64x768xf32, #tpu.memory_space<vmem>> -> memref<1x64x768xf32, #tpu.memory_space<vmem>>
    %dma_wait3A_228 = tpu.memref_squeeze %dma_wait3A_227 : memref<1x64x768xf32, #tpu.memory_space<vmem>> -> memref<64x768xf32, #tpu.memory_space<vmem>>
    tpu.wait_dma2 semaphore(%arg14 : memref<!tpu.dma_semaphore, #tpu.memory_space<semaphore_mem>>) src(%dma_wait3A_228 : memref<64x768xf32, #tpu.memory_space<vmem>>) dst(%dma_wait3A_224 : memref<64x768xf32, #tpu.memory_space<hbm>>)
    %dma_start3A_229 = arith.constant 1 : i32
    %dma_start3A_230 = arith.constant 0 : i32
    %dma_start3A_231 = arith.constant 0 : i32
    %dma_start3A_232 = tpu.memref_slice %arg8[%dma_start3A_229, %dma_start3A_230, %dma_start3A_231] : memref<2x64x768xf32, #tpu.memory_space<vmem>> -> memref<1x64x768xf32, #tpu.memory_space<vmem>>
    %dma_start3A_233 = tpu.memref_squeeze %dma_start3A_232 : memref<1x64x768xf32, #tpu.memory_space<vmem>> -> memref<64x768xf32, #tpu.memory_space<vmem>>
    %dma_start3A_234 = arith.constant 288 : i32
    %dma_start3A_235 = tpu.memref_slice %arg7[%dma_start3A_234] : memref<512xi32, #tpu.memory_space<vmem>> -> memref<64xi32, #tpu.memory_space<vmem>>
    %dma_start3A_236 = arith.constant 0 : i32
    %dma_start3A_237 = arith.constant 0 : i32
    %dma_start3A_238 = tpu.memref_slice %arg3[%dma_start3A_236, %dma_start3A_237] : memref<100000x768xf32, #tpu.memory_space<hbm>> -> memref<100000x768xf32, #tpu.memory_space<hbm>>
    tpu.enqueue_indirect_dma source(%dma_start3A_238 : memref<100000x768xf32, #tpu.memory_space<hbm>>) target(%dma_start3A_233 : memref<64x768xf32, #tpu.memory_space<vmem>>) offsets(%dma_start3A_235 : memref<64xi32, #tpu.memory_space<vmem>>) semaphore(%arg12 : memref<!tpu.dma_semaphore, #tpu.memory_space<semaphore_mem>>)
    %dma_wait3A_239 = arith.constant 0 : i32
    %dma_wait3A_240 = arith.constant 0 : i32
    %dma_wait3A_241 = arith.constant 0 : i32
    %dma_wait3A_242 = tpu.memref_slice %arg8[%dma_wait3A_239, %dma_wait3A_240, %dma_wait3A_241] : memref<2x64x768xf32, #tpu.memory_space<vmem>> -> memref<1x64x768xf32, #tpu.memory_space<vmem>>
    %dma_wait3A_243 = tpu.memref_squeeze %dma_wait3A_242 : memref<1x64x768xf32, #tpu.memory_space<vmem>> -> memref<64x768xf32, #tpu.memory_space<vmem>>
    %dma_wait3A_244 = arith.constant 224 : i32
    %dma_wait3A_245 = tpu.memref_slice %arg7[%dma_wait3A_244] : memref<512xi32, #tpu.memory_space<vmem>> -> memref<64xi32, #tpu.memory_space<vmem>>
    %dma_wait3A_246 = arith.constant 0 : i32
    %dma_wait3A_247 = arith.constant 0 : i32
    %dma_wait3A_248 = tpu.memref_slice %arg3[%dma_wait3A_246, %dma_wait3A_247] : memref<100000x768xf32, #tpu.memory_space<hbm>> -> memref<100000x768xf32, #tpu.memory_space<hbm>>
    tpu.wait_indirect_dma semaphore(%arg11 : memref<!tpu.dma_semaphore, #tpu.memory_space<semaphore_mem>>) src(%dma_wait3A_248 : memref<100000x768xf32, #tpu.memory_space<hbm>>) dst(%dma_wait3A_243 : memref<64x768xf32, #tpu.memory_space<vmem>>)
    %add3A_249 = arith.constant 224 : i32
    %add3A_250 = arith.addi %mul3A_2, %add3A_249 : i32
    %dma_start3A_251 = arith.constant 0 : i32
    %dma_start3A_252 = arith.constant 0 : i32
    %dma_start3A_253 = arith.constant 0 : i32
    %dma_start3A_254 = tpu.memref_slice %arg8[%dma_start3A_251, %dma_start3A_252, %dma_start3A_253] : memref<2x64x768xf32, #tpu.memory_space<vmem>> -> memref<1x64x768xf32, #tpu.memory_space<vmem>>
    %dma_start3A_255 = tpu.memref_squeeze %dma_start3A_254 : memref<1x64x768xf32, #tpu.memory_space<vmem>> -> memref<64x768xf32, #tpu.memory_space<vmem>>
    %dma_start3A_256 = arith.constant 0 : i32
    %dma_start3A_257 = tpu.memref_slice %arg5[%add3A_250, %dma_start3A_256] : memref<16384x768xf32, #tpu.memory_space<hbm>> -> memref<64x768xf32, #tpu.memory_space<hbm>>
    %dma_start3A_258 = arith.constant 0 : i32
    %dma_start3A_259 = tpu.memref_slice %arg5[%add3A_250, %dma_start3A_258] : memref<16384x768xf32, #tpu.memory_space<hbm>> -> memref<64x768xf32, #tpu.memory_space<hbm>>
    %dma_start3A_260 = arith.constant 0 : i32
    %dma_start3A_261 = arith.constant 0 : i32
    %dma_start3A_262 = tpu.memref_slice %arg8[%dma_start3A_251, %dma_start3A_260, %dma_start3A_261] : memref<2x64x768xf32, #tpu.memory_space<vmem>> -> memref<1x64x768xf32, #tpu.memory_space<vmem>>
    %dma_start3A_263 = tpu.memref_squeeze %dma_start3A_262 : memref<1x64x768xf32, #tpu.memory_space<vmem>> -> memref<64x768xf32, #tpu.memory_space<vmem>>
    tpu.enqueue_dma source(%dma_start3A_263 : memref<64x768xf32, #tpu.memory_space<vmem>>) target(%dma_start3A_259 : memref<64x768xf32, #tpu.memory_space<hbm>>) target_semaphore(%arg13 : memref<!tpu.dma_semaphore, #tpu.memory_space<semaphore_mem>>)
    %dma_wait3A_264 = arith.constant 0 : i32
    %dma_wait3A_265 = arith.constant 0 : i32
    %dma_wait3A_266 = arith.constant 0 : i32
    %dma_wait3A_267 = tpu.memref_slice %arg8[%dma_wait3A_264, %dma_wait3A_265, %dma_wait3A_266] : memref<2x64x768xf32, #tpu.memory_space<vmem>> -> memref<1x64x768xf32, #tpu.memory_space<vmem>>
    %dma_wait3A_268 = tpu.memref_squeeze %dma_wait3A_267 : memref<1x64x768xf32, #tpu.memory_space<vmem>> -> memref<64x768xf32, #tpu.memory_space<vmem>>
    %dma_wait3A_269 = arith.constant 0 : i32
    %dma_wait3A_270 = tpu.memref_slice %arg5[%add3A_250, %dma_wait3A_269] : memref<16384x768xf32, #tpu.memory_space<hbm>> -> memref<64x768xf32, #tpu.memory_space<hbm>>
    %dma_wait3A_271 = arith.constant 0 : i32
    %dma_wait3A_272 = tpu.memref_slice %arg5[%add3A_250, %dma_wait3A_271] : memref<16384x768xf32, #tpu.memory_space<hbm>> -> memref<64x768xf32, #tpu.memory_space<hbm>>
    %dma_wait3A_273 = arith.constant 0 : i32
    %dma_wait3A_274 = arith.constant 0 : i32
    %dma_wait3A_275 = tpu.memref_slice %arg8[%dma_wait3A_264, %dma_wait3A_273, %dma_wait3A_274] : memref<2x64x768xf32, #tpu.memory_space<vmem>> -> memref<1x64x768xf32, #tpu.memory_space<vmem>>
    %dma_wait3A_276 = tpu.memref_squeeze %dma_wait3A_275 : memref<1x64x768xf32, #tpu.memory_space<vmem>> -> memref<64x768xf32, #tpu.memory_space<vmem>>
    tpu.wait_dma2 semaphore(%arg13 : memref<!tpu.dma_semaphore, #tpu.memory_space<semaphore_mem>>) src(%dma_wait3A_276 : memref<64x768xf32, #tpu.memory_space<vmem>>) dst(%dma_wait3A_272 : memref<64x768xf32, #tpu.memory_space<hbm>>)
    %dma_start3A_277 = arith.constant 0 : i32
    %dma_start3A_278 = arith.constant 0 : i32
    %dma_start3A_279 = arith.constant 0 : i32
    %dma_start3A_280 = tpu.memref_slice %arg8[%dma_start3A_277, %dma_start3A_278, %dma_start3A_279] : memref<2x64x768xf32, #tpu.memory_space<vmem>> -> memref<1x64x768xf32, #tpu.memory_space<vmem>>
    %dma_start3A_281 = tpu.memref_squeeze %dma_start3A_280 : memref<1x64x768xf32, #tpu.memory_space<vmem>> -> memref<64x768xf32, #tpu.memory_space<vmem>>
    %dma_start3A_282 = arith.constant 352 : i32
    %dma_start3A_283 = tpu.memref_slice %arg7[%dma_start3A_282] : memref<512xi32, #tpu.memory_space<vmem>> -> memref<64xi32, #tpu.memory_space<vmem>>
    %dma_start3A_284 = arith.constant 0 : i32
    %dma_start3A_285 = arith.constant 0 : i32
    %dma_start3A_286 = tpu.memref_slice %arg3[%dma_start3A_284, %dma_start3A_285] : memref<100000x768xf32, #tpu.memory_space<hbm>> -> memref<100000x768xf32, #tpu.memory_space<hbm>>
    tpu.enqueue_indirect_dma source(%dma_start3A_286 : memref<100000x768xf32, #tpu.memory_space<hbm>>) target(%dma_start3A_281 : memref<64x768xf32, #tpu.memory_space<vmem>>) offsets(%dma_start3A_283 : memref<64xi32, #tpu.memory_space<vmem>>) semaphore(%arg11 : memref<!tpu.dma_semaphore, #tpu.memory_space<semaphore_mem>>)
    %dma_wait3A_287 = arith.constant 1 : i32
    %dma_wait3A_288 = arith.constant 0 : i32
    %dma_wait3A_289 = arith.constant 0 : i32
    %dma_wait3A_290 = tpu.memref_slice %arg8[%dma_wait3A_287, %dma_wait3A_288, %dma_wait3A_289] : memref<2x64x768xf32, #tpu.memory_space<vmem>> -> memref<1x64x768xf32, #tpu.memory_space<vmem>>
    %dma_wait3A_291 = tpu.memref_squeeze %dma_wait3A_290 : memref<1x64x768xf32, #tpu.memory_space<vmem>> -> memref<64x768xf32, #tpu.memory_space<vmem>>
    %dma_wait3A_292 = arith.constant 288 : i32
    %dma_wait3A_293 = tpu.memref_slice %arg7[%dma_wait3A_292] : memref<512xi32, #tpu.memory_space<vmem>> -> memref<64xi32, #tpu.memory_space<vmem>>
    %dma_wait3A_294 = arith.constant 0 : i32
    %dma_wait3A_295 = arith.constant 0 : i32
    %dma_wait3A_296 = tpu.memref_slice %arg3[%dma_wait3A_294, %dma_wait3A_295] : memref<100000x768xf32, #tpu.memory_space<hbm>> -> memref<100000x768xf32, #tpu.memory_space<hbm>>
    tpu.wait_indirect_dma semaphore(%arg12 : memref<!tpu.dma_semaphore, #tpu.memory_space<semaphore_mem>>) src(%dma_wait3A_296 : memref<100000x768xf32, #tpu.memory_space<hbm>>) dst(%dma_wait3A_291 : memref<64x768xf32, #tpu.memory_space<vmem>>)
    %add3A_297 = arith.constant 288 : i32
    %add3A_298 = arith.addi %mul3A_2, %add3A_297 : i32
    %dma_start3A_299 = arith.constant 1 : i32
    %dma_start3A_300 = arith.constant 0 : i32
    %dma_start3A_301 = arith.constant 0 : i32
    %dma_start3A_302 = tpu.memref_slice %arg8[%dma_start3A_299, %dma_start3A_300, %dma_start3A_301] : memref<2x64x768xf32, #tpu.memory_space<vmem>> -> memref<1x64x768xf32, #tpu.memory_space<vmem>>
    %dma_start3A_303 = tpu.memref_squeeze %dma_start3A_302 : memref<1x64x768xf32, #tpu.memory_space<vmem>> -> memref<64x768xf32, #tpu.memory_space<vmem>>
    %dma_start3A_304 = arith.constant 0 : i32
    %dma_start3A_305 = tpu.memref_slice %arg5[%add3A_298, %dma_start3A_304] : memref<16384x768xf32, #tpu.memory_space<hbm>> -> memref<64x768xf32, #tpu.memory_space<hbm>>
    %dma_start3A_306 = arith.constant 0 : i32
    %dma_start3A_307 = tpu.memref_slice %arg5[%add3A_298, %dma_start3A_306] : memref<16384x768xf32, #tpu.memory_space<hbm>> -> memref<64x768xf32, #tpu.memory_space<hbm>>
    %dma_start3A_308 = arith.constant 0 : i32
    %dma_start3A_309 = arith.constant 0 : i32
    %dma_start3A_310 = tpu.memref_slice %arg8[%dma_start3A_299, %dma_start3A_308, %dma_start3A_309] : memref<2x64x768xf32, #tpu.memory_space<vmem>> -> memref<1x64x768xf32, #tpu.memory_space<vmem>>
    %dma_start3A_311 = tpu.memref_squeeze %dma_start3A_310 : memref<1x64x768xf32, #tpu.memory_space<vmem>> -> memref<64x768xf32, #tpu.memory_space<vmem>>
    tpu.enqueue_dma source(%dma_start3A_311 : memref<64x768xf32, #tpu.memory_space<vmem>>) target(%dma_start3A_307 : memref<64x768xf32, #tpu.memory_space<hbm>>) target_semaphore(%arg14 : memref<!tpu.dma_semaphore, #tpu.memory_space<semaphore_mem>>)
    %dma_wait3A_312 = arith.constant 1 : i32
    %dma_wait3A_313 = arith.constant 0 : i32
    %dma_wait3A_314 = arith.constant 0 : i32
    %dma_wait3A_315 = tpu.memref_slice %arg8[%dma_wait3A_312, %dma_wait3A_313, %dma_wait3A_314] : memref<2x64x768xf32, #tpu.memory_space<vmem>> -> memref<1x64x768xf32, #tpu.memory_space<vmem>>
    %dma_wait3A_316 = tpu.memref_squeeze %dma_wait3A_315 : memref<1x64x768xf32, #tpu.memory_space<vmem>> -> memref<64x768xf32, #tpu.memory_space<vmem>>
    %dma_wait3A_317 = arith.constant 0 : i32
    %dma_wait3A_318 = tpu.memref_slice %arg5[%add3A_298, %dma_wait3A_317] : memref<16384x768xf32, #tpu.memory_space<hbm>> -> memref<64x768xf32, #tpu.memory_space<hbm>>
    %dma_wait3A_319 = arith.constant 0 : i32
    %dma_wait3A_320 = tpu.memref_slice %arg5[%add3A_298, %dma_wait3A_319] : memref<16384x768xf32, #tpu.memory_space<hbm>> -> memref<64x768xf32, #tpu.memory_space<hbm>>
    %dma_wait3A_321 = arith.constant 0 : i32
    %dma_wait3A_322 = arith.constant 0 : i32
    %dma_wait3A_323 = tpu.memref_slice %arg8[%dma_wait3A_312, %dma_wait3A_321, %dma_wait3A_322] : memref<2x64x768xf32, #tpu.memory_space<vmem>> -> memref<1x64x768xf32, #tpu.memory_space<vmem>>
    %dma_wait3A_324 = tpu.memref_squeeze %dma_wait3A_323 : memref<1x64x768xf32, #tpu.memory_space<vmem>> -> memref<64x768xf32, #tpu.memory_space<vmem>>
    tpu.wait_dma2 semaphore(%arg14 : memref<!tpu.dma_semaphore, #tpu.memory_space<semaphore_mem>>) src(%dma_wait3A_324 : memref<64x768xf32, #tpu.memory_space<vmem>>) dst(%dma_wait3A_320 : memref<64x768xf32, #tpu.memory_space<hbm>>)
    %dma_start3A_325 = arith.constant 1 : i32
    %dma_start3A_326 = arith.constant 0 : i32
    %dma_start3A_327 = arith.constant 0 : i32
    %dma_start3A_328 = tpu.memref_slice %arg8[%dma_start3A_325, %dma_start3A_326, %dma_start3A_327] : memref<2x64x768xf32, #tpu.memory_space<vmem>> -> memref<1x64x768xf32, #tpu.memory_space<vmem>>
    %dma_start3A_329 = tpu.memref_squeeze %dma_start3A_328 : memref<1x64x768xf32, #tpu.memory_space<vmem>> -> memref<64x768xf32, #tpu.memory_space<vmem>>
    %dma_start3A_330 = arith.constant 416 : i32
    %dma_start3A_331 = tpu.memref_slice %arg7[%dma_start3A_330] : memref<512xi32, #tpu.memory_space<vmem>> -> memref<64xi32, #tpu.memory_space<vmem>>
    %dma_start3A_332 = arith.constant 0 : i32
    %dma_start3A_333 = arith.constant 0 : i32
    %dma_start3A_334 = tpu.memref_slice %arg3[%dma_start3A_332, %dma_start3A_333] : memref<100000x768xf32, #tpu.memory_space<hbm>> -> memref<100000x768xf32, #tpu.memory_space<hbm>>
    tpu.enqueue_indirect_dma source(%dma_start3A_334 : memref<100000x768xf32, #tpu.memory_space<hbm>>) target(%dma_start3A_329 : memref<64x768xf32, #tpu.memory_space<vmem>>) offsets(%dma_start3A_331 : memref<64xi32, #tpu.memory_space<vmem>>) semaphore(%arg12 : memref<!tpu.dma_semaphore, #tpu.memory_space<semaphore_mem>>)
    %dma_wait3A_335 = arith.constant 0 : i32
    %dma_wait3A_336 = arith.constant 0 : i32
    %dma_wait3A_337 = arith.constant 0 : i32
    %dma_wait3A_338 = tpu.memref_slice %arg8[%dma_wait3A_335, %dma_wait3A_336, %dma_wait3A_337] : memref<2x64x768xf32, #tpu.memory_space<vmem>> -> memref<1x64x768xf32, #tpu.memory_space<vmem>>
    %dma_wait3A_339 = tpu.memref_squeeze %dma_wait3A_338 : memref<1x64x768xf32, #tpu.memory_space<vmem>> -> memref<64x768xf32, #tpu.memory_space<vmem>>
    %dma_wait3A_340 = arith.constant 352 : i32
    %dma_wait3A_341 = tpu.memref_slice %arg7[%dma_wait3A_340] : memref<512xi32, #tpu.memory_space<vmem>> -> memref<64xi32, #tpu.memory_space<vmem>>
    %dma_wait3A_342 = arith.constant 0 : i32
    %dma_wait3A_343 = arith.constant 0 : i32
    %dma_wait3A_344 = tpu.memref_slice %arg3[%dma_wait3A_342, %dma_wait3A_343] : memref<100000x768xf32, #tpu.memory_space<hbm>> -> memref<100000x768xf32, #tpu.memory_space<hbm>>
    tpu.wait_indirect_dma semaphore(%arg11 : memref<!tpu.dma_semaphore, #tpu.memory_space<semaphore_mem>>) src(%dma_wait3A_344 : memref<100000x768xf32, #tpu.memory_space<hbm>>) dst(%dma_wait3A_339 : memref<64x768xf32, #tpu.memory_space<vmem>>)
    %add3A_345 = arith.constant 352 : i32
    %add3A_346 = arith.addi %mul3A_2, %add3A_345 : i32
    %dma_start3A_347 = arith.constant 0 : i32
    %dma_start3A_348 = arith.constant 0 : i32
    %dma_start3A_349 = arith.constant 0 : i32
    %dma_start3A_350 = tpu.memref_slice %arg8[%dma_start3A_347, %dma_start3A_348, %dma_start3A_349] : memref<2x64x768xf32, #tpu.memory_space<vmem>> -> memref<1x64x768xf32, #tpu.memory_space<vmem>>
    %dma_start3A_351 = tpu.memref_squeeze %dma_start3A_350 : memref<1x64x768xf32, #tpu.memory_space<vmem>> -> memref<64x768xf32, #tpu.memory_space<vmem>>
    %dma_start3A_352 = arith.constant 0 : i32
    %dma_start3A_353 = tpu.memref_slice %arg5[%add3A_346, %dma_start3A_352] : memref<16384x768xf32, #tpu.memory_space<hbm>> -> memref<64x768xf32, #tpu.memory_space<hbm>>
    %dma_start3A_354 = arith.constant 0 : i32
    %dma_start3A_355 = tpu.memref_slice %arg5[%add3A_346, %dma_start3A_354] : memref<16384x768xf32, #tpu.memory_space<hbm>> -> memref<64x768xf32, #tpu.memory_space<hbm>>
    %dma_start3A_356 = arith.constant 0 : i32
    %dma_start3A_357 = arith.constant 0 : i32
    %dma_start3A_358 = tpu.memref_slice %arg8[%dma_start3A_347, %dma_start3A_356, %dma_start3A_357] : memref<2x64x768xf32, #tpu.memory_space<vmem>> -> memref<1x64x768xf32, #tpu.memory_space<vmem>>
    %dma_start3A_359 = tpu.memref_squeeze %dma_start3A_358 : memref<1x64x768xf32, #tpu.memory_space<vmem>> -> memref<64x768xf32, #tpu.memory_space<vmem>>
    tpu.enqueue_dma source(%dma_start3A_359 : memref<64x768xf32, #tpu.memory_space<vmem>>) target(%dma_start3A_355 : memref<64x768xf32, #tpu.memory_space<hbm>>) target_semaphore(%arg13 : memref<!tpu.dma_semaphore, #tpu.memory_space<semaphore_mem>>)
    %dma_wait3A_360 = arith.constant 0 : i32
    %dma_wait3A_361 = arith.constant 0 : i32
    %dma_wait3A_362 = arith.constant 0 : i32
    %dma_wait3A_363 = tpu.memref_slice %arg8[%dma_wait3A_360, %dma_wait3A_361, %dma_wait3A_362] : memref<2x64x768xf32, #tpu.memory_space<vmem>> -> memref<1x64x768xf32, #tpu.memory_space<vmem>>
    %dma_wait3A_364 = tpu.memref_squeeze %dma_wait3A_363 : memref<1x64x768xf32, #tpu.memory_space<vmem>> -> memref<64x768xf32, #tpu.memory_space<vmem>>
    %dma_wait3A_365 = arith.constant 0 : i32
    %dma_wait3A_366 = tpu.memref_slice %arg5[%add3A_346, %dma_wait3A_365] : memref<16384x768xf32, #tpu.memory_space<hbm>> -> memref<64x768xf32, #tpu.memory_space<hbm>>
    %dma_wait3A_367 = arith.constant 0 : i32
    %dma_wait3A_368 = tpu.memref_slice %arg5[%add3A_346, %dma_wait3A_367] : memref<16384x768xf32, #tpu.memory_space<hbm>> -> memref<64x768xf32, #tpu.memory_space<hbm>>
    %dma_wait3A_369 = arith.constant 0 : i32
    %dma_wait3A_370 = arith.constant 0 : i32
    %dma_wait3A_371 = tpu.memref_slice %arg8[%dma_wait3A_360, %dma_wait3A_369, %dma_wait3A_370] : memref<2x64x768xf32, #tpu.memory_space<vmem>> -> memref<1x64x768xf32, #tpu.memory_space<vmem>>
    %dma_wait3A_372 = tpu.memref_squeeze %dma_wait3A_371 : memref<1x64x768xf32, #tpu.memory_space<vmem>> -> memref<64x768xf32, #tpu.memory_space<vmem>>
    tpu.wait_dma2 semaphore(%arg13 : memref<!tpu.dma_semaphore, #tpu.memory_space<semaphore_mem>>) src(%dma_wait3A_372 : memref<64x768xf32, #tpu.memory_space<vmem>>) dst(%dma_wait3A_368 : memref<64x768xf32, #tpu.memory_space<hbm>>)
    %dma_start3A_373 = arith.constant 0 : i32
    %dma_start3A_374 = arith.constant 0 : i32
    %dma_start3A_375 = arith.constant 0 : i32
    %dma_start3A_376 = tpu.memref_slice %arg8[%dma_start3A_373, %dma_start3A_374, %dma_start3A_375] : memref<2x64x768xf32, #tpu.memory_space<vmem>> -> memref<1x32x768xf32, #tpu.memory_space<vmem>>
    %dma_start3A_377 = tpu.memref_squeeze %dma_start3A_376 : memref<1x32x768xf32, #tpu.memory_space<vmem>> -> memref<32x768xf32, #tpu.memory_space<vmem>>
    %dma_start3A_378 = arith.constant 480 : i32
    %dma_start3A_379 = tpu.memref_slice %arg7[%dma_start3A_378] : memref<512xi32, #tpu.memory_space<vmem>> -> memref<32xi32, #tpu.memory_space<vmem>>
    %dma_start3A_380 = arith.constant 0 : i32
    %dma_start3A_381 = arith.constant 0 : i32
    %dma_start3A_382 = tpu.memref_slice %arg3[%dma_start3A_380, %dma_start3A_381] : memref<100000x768xf32, #tpu.memory_space<hbm>> -> memref<100000x768xf32, #tpu.memory_space<hbm>>
    tpu.enqueue_indirect_dma source(%dma_start3A_382 : memref<100000x768xf32, #tpu.memory_space<hbm>>) target(%dma_start3A_377 : memref<32x768xf32, #tpu.memory_space<vmem>>) offsets(%dma_start3A_379 : memref<32xi32, #tpu.memory_space<vmem>>) semaphore(%arg11 : memref<!tpu.dma_semaphore, #tpu.memory_space<semaphore_mem>>)
    %dma_wait3A_383 = arith.constant 1 : i32
    %dma_wait3A_384 = arith.constant 0 : i32
    %dma_wait3A_385 = arith.constant 0 : i32
    %dma_wait3A_386 = tpu.memref_slice %arg8[%dma_wait3A_383, %dma_wait3A_384, %dma_wait3A_385] : memref<2x64x768xf32, #tpu.memory_space<vmem>> -> memref<1x64x768xf32, #tpu.memory_space<vmem>>
    %dma_wait3A_387 = tpu.memref_squeeze %dma_wait3A_386 : memref<1x64x768xf32, #tpu.memory_space<vmem>> -> memref<64x768xf32, #tpu.memory_space<vmem>>
    %dma_wait3A_388 = arith.constant 416 : i32
    %dma_wait3A_389 = tpu.memref_slice %arg7[%dma_wait3A_388] : memref<512xi32, #tpu.memory_space<vmem>> -> memref<64xi32, #tpu.memory_space<vmem>>
    %dma_wait3A_390 = arith.constant 0 : i32
    %dma_wait3A_391 = arith.constant 0 : i32
    %dma_wait3A_392 = tpu.memref_slice %arg3[%dma_wait3A_390, %dma_wait3A_391] : memref<100000x768xf32, #tpu.memory_space<hbm>> -> memref<100000x768xf32, #tpu.memory_space<hbm>>
    tpu.wait_indirect_dma semaphore(%arg12 : memref<!tpu.dma_semaphore, #tpu.memory_space<semaphore_mem>>) src(%dma_wait3A_392 : memref<100000x768xf32, #tpu.memory_space<hbm>>) dst(%dma_wait3A_387 : memref<64x768xf32, #tpu.memory_space<vmem>>)
    %add3A_393 = arith.constant 416 : i32
    %add3A_394 = arith.addi %mul3A_2, %add3A_393 : i32
    %dma_start3A_395 = arith.constant 1 : i32
    %dma_start3A_396 = arith.constant 0 : i32
    %dma_start3A_397 = arith.constant 0 : i32
    %dma_start3A_398 = tpu.memref_slice %arg8[%dma_start3A_395, %dma_start3A_396, %dma_start3A_397] : memref<2x64x768xf32, #tpu.memory_space<vmem>> -> memref<1x64x768xf32, #tpu.memory_space<vmem>>
    %dma_start3A_399 = tpu.memref_squeeze %dma_start3A_398 : memref<1x64x768xf32, #tpu.memory_space<vmem>> -> memref<64x768xf32, #tpu.memory_space<vmem>>
    %dma_start3A_400 = arith.constant 0 : i32
    %dma_start3A_401 = tpu.memref_slice %arg5[%add3A_394, %dma_start3A_400] : memref<16384x768xf32, #tpu.memory_space<hbm>> -> memref<64x768xf32, #tpu.memory_space<hbm>>
    %dma_start3A_402 = arith.constant 0 : i32
    %dma_start3A_403 = tpu.memref_slice %arg5[%add3A_394, %dma_start3A_402] : memref<16384x768xf32, #tpu.memory_space<hbm>> -> memref<64x768xf32, #tpu.memory_space<hbm>>
    %dma_start3A_404 = arith.constant 0 : i32
    %dma_start3A_405 = arith.constant 0 : i32
    %dma_start3A_406 = tpu.memref_slice %arg8[%dma_start3A_395, %dma_start3A_404, %dma_start3A_405] : memref<2x64x768xf32, #tpu.memory_space<vmem>> -> memref<1x64x768xf32, #tpu.memory_space<vmem>>
    %dma_start3A_407 = tpu.memref_squeeze %dma_start3A_406 : memref<1x64x768xf32, #tpu.memory_space<vmem>> -> memref<64x768xf32, #tpu.memory_space<vmem>>
    tpu.enqueue_dma source(%dma_start3A_407 : memref<64x768xf32, #tpu.memory_space<vmem>>) target(%dma_start3A_403 : memref<64x768xf32, #tpu.memory_space<hbm>>) target_semaphore(%arg14 : memref<!tpu.dma_semaphore, #tpu.memory_space<semaphore_mem>>)
    %dma_wait3A_408 = arith.constant 0 : i32
    %dma_wait3A_409 = arith.constant 0 : i32
    %dma_wait3A_410 = arith.constant 0 : i32
    %dma_wait3A_411 = tpu.memref_slice %arg8[%dma_wait3A_408, %dma_wait3A_409, %dma_wait3A_410] : memref<2x64x768xf32, #tpu.memory_space<vmem>> -> memref<1x32x768xf32, #tpu.memory_space<vmem>>
    %dma_wait3A_412 = tpu.memref_squeeze %dma_wait3A_411 : memref<1x32x768xf32, #tpu.memory_space<vmem>> -> memref<32x768xf32, #tpu.memory_space<vmem>>
    %dma_wait3A_413 = arith.constant 480 : i32
    %dma_wait3A_414 = tpu.memref_slice %arg7[%dma_wait3A_413] : memref<512xi32, #tpu.memory_space<vmem>> -> memref<32xi32, #tpu.memory_space<vmem>>
    %dma_wait3A_415 = arith.constant 0 : i32
    %dma_wait3A_416 = arith.constant 0 : i32
    %dma_wait3A_417 = tpu.memref_slice %arg3[%dma_wait3A_415, %dma_wait3A_416] : memref<100000x768xf32, #tpu.memory_space<hbm>> -> memref<100000x768xf32, #tpu.memory_space<hbm>>
    tpu.wait_indirect_dma semaphore(%arg11 : memref<!tpu.dma_semaphore, #tpu.memory_space<semaphore_mem>>) src(%dma_wait3A_417 : memref<100000x768xf32, #tpu.memory_space<hbm>>) dst(%dma_wait3A_412 : memref<32x768xf32, #tpu.memory_space<vmem>>)
    %add3A_418 = arith.constant 480 : i32
    %add3A_419 = arith.addi %mul3A_2, %add3A_418 : i32
    %dma_start3A_420 = arith.constant 0 : i32
    %dma_start3A_421 = arith.constant 0 : i32
    %dma_start3A_422 = arith.constant 0 : i32
    %dma_start3A_423 = tpu.memref_slice %arg8[%dma_start3A_420, %dma_start3A_421, %dma_start3A_422] : memref<2x64x768xf32, #tpu.memory_space<vmem>> -> memref<1x32x768xf32, #tpu.memory_space<vmem>>
    %dma_start3A_424 = tpu.memref_squeeze %dma_start3A_423 : memref<1x32x768xf32, #tpu.memory_space<vmem>> -> memref<32x768xf32, #tpu.memory_space<vmem>>
    %dma_start3A_425 = arith.constant 0 : i32
    %dma_start3A_426 = tpu.memref_slice %arg5[%add3A_419, %dma_start3A_425] : memref<16384x768xf32, #tpu.memory_space<hbm>> -> memref<32x768xf32, #tpu.memory_space<hbm>>
    %dma_start3A_427 = arith.constant 0 : i32
    %dma_start3A_428 = tpu.memref_slice %arg5[%add3A_419, %dma_start3A_427] : memref<16384x768xf32, #tpu.memory_space<hbm>> -> memref<32x768xf32, #tpu.memory_space<hbm>>
    %dma_start3A_429 = arith.constant 0 : i32
    %dma_start3A_430 = arith.constant 0 : i32
    %dma_start3A_431 = tpu.memref_slice %arg8[%dma_start3A_420, %dma_start3A_429, %dma_start3A_430] : memref<2x64x768xf32, #tpu.memory_space<vmem>> -> memref<1x32x768xf32, #tpu.memory_space<vmem>>
    %dma_start3A_432 = tpu.memref_squeeze %dma_start3A_431 : memref<1x32x768xf32, #tpu.memory_space<vmem>> -> memref<32x768xf32, #tpu.memory_space<vmem>>
    tpu.enqueue_dma source(%dma_start3A_432 : memref<32x768xf32, #tpu.memory_space<vmem>>) target(%dma_start3A_428 : memref<32x768xf32, #tpu.memory_space<hbm>>) target_semaphore(%arg13 : memref<!tpu.dma_semaphore, #tpu.memory_space<semaphore_mem>>)
    %dma_wait3A_433 = arith.constant 1 : i32
    %dma_wait3A_434 = arith.constant 0 : i32
    %dma_wait3A_435 = arith.constant 0 : i32
    %dma_wait3A_436 = tpu.memref_slice %arg8[%dma_wait3A_433, %dma_wait3A_434, %dma_wait3A_435] : memref<2x64x768xf32, #tpu.memory_space<vmem>> -> memref<1x64x768xf32, #tpu.memory_space<vmem>>
    %dma_wait3A_437 = tpu.memref_squeeze %dma_wait3A_436 : memref<1x64x768xf32, #tpu.memory_space<vmem>> -> memref<64x768xf32, #tpu.memory_space<vmem>>
    %dma_wait3A_438 = arith.constant 0 : i32
    %dma_wait3A_439 = tpu.memref_slice %arg5[%add3A_394, %dma_wait3A_438] : memref<16384x768xf32, #tpu.memory_space<hbm>> -> memref<64x768xf32, #tpu.memory_space<hbm>>
    %dma_wait3A_440 = arith.constant 0 : i32
    %dma_wait3A_441 = tpu.memref_slice %arg5[%add3A_394, %dma_wait3A_440] : memref<16384x768xf32, #tpu.memory_space<hbm>> -> memref<64x768xf32, #tpu.memory_space<hbm>>
    %dma_wait3A_442 = arith.constant 0 : i32
    %dma_wait3A_443 = arith.constant 0 : i32
    %dma_wait3A_444 = tpu.memref_slice %arg8[%dma_wait3A_433, %dma_wait3A_442, %dma_wait3A_443] : memref<2x64x768xf32, #tpu.memory_space<vmem>> -> memref<1x64x768xf32, #tpu.memory_space<vmem>>
    %dma_wait3A_445 = tpu.memref_squeeze %dma_wait3A_444 : memref<1x64x768xf32, #tpu.memory_space<vmem>> -> memref<64x768xf32, #tpu.memory_space<vmem>>
    tpu.wait_dma2 semaphore(%arg14 : memref<!tpu.dma_semaphore, #tpu.memory_space<semaphore_mem>>) src(%dma_wait3A_445 : memref<64x768xf32, #tpu.memory_space<vmem>>) dst(%dma_wait3A_441 : memref<64x768xf32, #tpu.memory_space<hbm>>)
    %dma_wait3A_446 = arith.constant 0 : i32
    %dma_wait3A_447 = arith.constant 0 : i32
    %dma_wait3A_448 = arith.constant 0 : i32
    %dma_wait3A_449 = tpu.memref_slice %arg8[%dma_wait3A_446, %dma_wait3A_447, %dma_wait3A_448] : memref<2x64x768xf32, #tpu.memory_space<vmem>> -> memref<1x32x768xf32, #tpu.memory_space<vmem>>
    %dma_wait3A_450 = tpu.memref_squeeze %dma_wait3A_449 : memref<1x32x768xf32, #tpu.memory_space<vmem>> -> memref<32x768xf32, #tpu.memory_space<vmem>>
    %dma_wait3A_451 = arith.constant 0 : i32
    %dma_wait3A_452 = tpu.memref_slice %arg5[%add3A_419, %dma_wait3A_451] : memref<16384x768xf32, #tpu.memory_space<hbm>> -> memref<32x768xf32, #tpu.memory_space<hbm>>
    %dma_wait3A_453 = arith.constant 0 : i32
    %dma_wait3A_454 = tpu.memref_slice %arg5[%add3A_419, %dma_wait3A_453] : memref<16384x768xf32, #tpu.memory_space<hbm>> -> memref<32x768xf32, #tpu.memory_space<hbm>>
    %dma_wait3A_455 = arith.constant 0 : i32
    %dma_wait3A_456 = arith.constant 0 : i32
    %dma_wait3A_457 = tpu.memref_slice %arg8[%dma_wait3A_446, %dma_wait3A_455, %dma_wait3A_456] : memref<2x64x768xf32, #tpu.memory_space<vmem>> -> memref<1x32x768xf32, #tpu.memory_space<vmem>>
    %dma_wait3A_458 = tpu.memref_squeeze %dma_wait3A_457 : memref<1x32x768xf32, #tpu.memory_space<vmem>> -> memref<32x768xf32, #tpu.memory_space<vmem>>
    tpu.wait_dma2 semaphore(%arg13 : memref<!tpu.dma_semaphore, #tpu.memory_space<semaphore_mem>>) src(%dma_wait3A_458 : memref<32x768xf32, #tpu.memory_space<vmem>>) dst(%dma_wait3A_454 : memref<32x768xf32, #tpu.memory_space<hbm>>)
    %dma_wait3A_459 = arith.constant 0 : i32
    %dma_wait3A_460 = tpu.memref_slice %arg9[%dma_wait3A_459] : memref<512xf32, #tpu.memory_space<vmem>> -> memref<128xf32, #tpu.memory_space<vmem>>
    %dma_wait3A_461 = arith.constant 0 : i32
    %dma_wait3A_462 = tpu.memref_slice %arg7[%dma_wait3A_461] : memref<512xi32, #tpu.memory_space<vmem>> -> memref<128xi32, #tpu.memory_space<vmem>>
    %dma_wait3A_463 = arith.constant 0 : i32
    %dma_wait3A_464 = tpu.memref_slice %arg10[%dma_wait3A_463] : memref<100000xf32, #tpu.memory_space<vmem_shared>> -> memref<100000xf32, #tpu.memory_space<vmem_shared>>
    tpu.wait_indirect_dma semaphore(%arg15 : memref<!tpu.dma_semaphore, #tpu.memory_space<semaphore_mem>>) src(%dma_wait3A_464 : memref<100000xf32, #tpu.memory_space<vmem_shared>>) dst(%dma_wait3A_460 : memref<128xf32, #tpu.memory_space<vmem>>)
    %dma_wait3A_465 = arith.constant 128 : i32
    %dma_wait3A_466 = tpu.memref_slice %arg9[%dma_wait3A_465] : memref<512xf32, #tpu.memory_space<vmem>> -> memref<128xf32, #tpu.memory_space<vmem>>
    %dma_wait3A_467 = arith.constant 128 : i32
    %dma_wait3A_468 = tpu.memref_slice %arg7[%dma_wait3A_467] : memref<512xi32, #tpu.memory_space<vmem>> -> memref<128xi32, #tpu.memory_space<vmem>>
    %dma_wait3A_469 = arith.constant 0 : i32
    %dma_wait3A_470 = tpu.memref_slice %arg10[%dma_wait3A_469] : memref<100000xf32, #tpu.memory_space<vmem_shared>> -> memref<100000xf32, #tpu.memory_space<vmem_shared>>
    tpu.wait_indirect_dma semaphore(%arg15 : memref<!tpu.dma_semaphore, #tpu.memory_space<semaphore_mem>>) src(%dma_wait3A_470 : memref<100000xf32, #tpu.memory_space<vmem_shared>>) dst(%dma_wait3A_466 : memref<128xf32, #tpu.memory_space<vmem>>)
    %dma_wait3A_471 = arith.constant 256 : i32
    %dma_wait3A_472 = tpu.memref_slice %arg9[%dma_wait3A_471] : memref<512xf32, #tpu.memory_space<vmem>> -> memref<128xf32, #tpu.memory_space<vmem>>
    %dma_wait3A_473 = arith.constant 256 : i32
    %dma_wait3A_474 = tpu.memref_slice %arg7[%dma_wait3A_473] : memref<512xi32, #tpu.memory_space<vmem>> -> memref<128xi32, #tpu.memory_space<vmem>>
    %dma_wait3A_475 = arith.constant 0 : i32
    %dma_wait3A_476 = tpu.memref_slice %arg10[%dma_wait3A_475] : memref<100000xf32, #tpu.memory_space<vmem_shared>> -> memref<100000xf32, #tpu.memory_space<vmem_shared>>
    tpu.wait_indirect_dma semaphore(%arg15 : memref<!tpu.dma_semaphore, #tpu.memory_space<semaphore_mem>>) src(%dma_wait3A_476 : memref<100000xf32, #tpu.memory_space<vmem_shared>>) dst(%dma_wait3A_472 : memref<128xf32, #tpu.memory_space<vmem>>)
    %dma_wait3A_477 = arith.constant 384 : i32
    %dma_wait3A_478 = tpu.memref_slice %arg9[%dma_wait3A_477] : memref<512xf32, #tpu.memory_space<vmem>> -> memref<128xf32, #tpu.memory_space<vmem>>
    %dma_wait3A_479 = arith.constant 384 : i32
    %dma_wait3A_480 = tpu.memref_slice %arg7[%dma_wait3A_479] : memref<512xi32, #tpu.memory_space<vmem>> -> memref<128xi32, #tpu.memory_space<vmem>>
    %dma_wait3A_481 = arith.constant 0 : i32
    %dma_wait3A_482 = tpu.memref_slice %arg10[%dma_wait3A_481] : memref<100000xf32, #tpu.memory_space<vmem_shared>> -> memref<100000xf32, #tpu.memory_space<vmem_shared>>
    tpu.wait_indirect_dma semaphore(%arg15 : memref<!tpu.dma_semaphore, #tpu.memory_space<semaphore_mem>>) src(%dma_wait3A_482 : memref<100000xf32, #tpu.memory_space<vmem_shared>>) dst(%dma_wait3A_478 : memref<128xf32, #tpu.memory_space<vmem>>)
    "tpu.region"() ({
      %run_scoped3A = tpu.sem_alloc : memref<!tpu.dma_semaphore, #tpu.memory_space<semaphore_mem>>
      %dma_start3A_483 = tpu.memref_slice %arg6[%mul3A_2] : memref<16384xf32, #tpu.memory_space<hbm>> -> memref<512xf32, #tpu.memory_space<hbm>>
      %dma_start3A_484 = tpu.memref_slice %arg6[%mul3A_2] : memref<16384xf32, #tpu.memory_space<hbm>> -> memref<512xf32, #tpu.memory_space<hbm>>
      tpu.enqueue_dma source(%arg9 : memref<512xf32, #tpu.memory_space<vmem>>) target(%dma_start3A_484 : memref<512xf32, #tpu.memory_space<hbm>>) target_semaphore(%run_scoped3A : memref<!tpu.dma_semaphore, #tpu.memory_space<semaphore_mem>>)
      %dma_wait3A_485 = tpu.memref_slice %arg6[%mul3A_2] : memref<16384xf32, #tpu.memory_space<hbm>> -> memref<512xf32, #tpu.memory_space<hbm>>
      %dma_wait3A_486 = tpu.memref_slice %arg6[%mul3A_2] : memref<16384xf32, #tpu.memory_space<hbm>> -> memref<512xf32, #tpu.memory_space<hbm>>
      tpu.wait_dma2 semaphore(%run_scoped3A : memref<!tpu.dma_semaphore, #tpu.memory_space<semaphore_mem>>) src(%arg9 : memref<512xf32, #tpu.memory_space<vmem>>) dst(%dma_wait3A_486 : memref<512xf32, #tpu.memory_space<hbm>>)
      tpu.yield
    }) : () -> ()
    return
  }
}

</mosaic_0001>

<sc_bundles>
// kernel: kernel.3.cloned.1.call-start
scs
__scs_entry_jumppad:
0x0: {  	(pc) =	sbr.rel $0x88, $3  }
0x1: {  	(tag) =	ssettag $0x0;
	lr =	simm.s32 $0x1  }
0x2: {  	[smem:$0x3F9E] =	sst lr;
	_ =	strace $0xD0000000  }
0x3: {  	_ = 	snop  }
0x4: {  	_ = 	snop  }
0x5: {  	_ = 	snop  }
0x6: {  	_ = 	snop  }
0x7: {  	_ = 	snop  }
__scs_overlays_trampoline_lowered:
0x8: {  	[smem:$0x3FAD] =	sst s0  }
0x9: {  	[smem:$0x3FAE] =	sst s1  }
0xa: {  	[smem:$0x3FAF] =	sst s2  }
0xb: {  	[smem:$0x3FB0] =	sst s3  }
0xc: {  	[smem:$0x3FB1] =	sst s4  }
0xd: {  	[smem:$0x3FB2] =	sst s5  }
0xe: {  	[smem:$0x3FB3] =	sst s6  }
0xf: {  	[smem:$0x3FB4] =	sst s7  }
0x10: {  	[smem:$0x3FB5] =	sst s8  }
0x11: {  	[smem:$0x3FB6] =	sst s9;
	s0 =	simm.s32 @!p0 $0x0  }
0x12: {  	s1 =	sld [smem:$0x3F9C];
	s0 =	simm.s32 @p0 $0x1  }
0x13: {  	[smem:$0x3FB7] =	sst s0;
	s0 =	simm.s32 @!p1 $0x0  }
0x14: {  	s2 =	sld [smem:$0x3F9B];
	s0 =	simm.s32 @p1 $0x1  }
0x15: {  	[smem:$0x3FB8] =	sst s0;
	s0 =	simm.s32 @!p2 $0x0  }
0x16: {  	s3 =	sld [smem:$0x3FDB];
	s0 =	simm.s32 @p2 $0x1  }
0x17: {  	s4 =	simm.s32 $0x1BF5;
	[smem:$0x3FBA] =	sst s0  }
0x18: {  	s0 =	sld [smem:$0x3F9D];
	_ =	swait.ge [sflag:s4], $0x0  }
0x19: {  	s7 =	sld [smem:$0x3F9E]  }
0x1a: {  	s8 =	sadd.s32 $0xFFFFE003, lr  }
0x1b: {  	s9 =	sadd.s32 $0xFFFFFEF7, lr;
	s5 =	simm.s32 $0xFFFFFFFF;
	p2 =	slt.u32 s8, $0xFFFFF086  }
0x1c: {  	p1 =	slt.u32 s9, $0xF7A;
	s5 =	simm.s32 @!p2 $0x0  }
0x1d: {  	s5 =	simm.s32 @p1 $0x1;
	p0 =	seq.s32 s7, s2  }
0x1e: {  	s7 =	smul.u32 @!p0 $0xF7A, s2;
	p2 =	seq.s32 @!p0 s5, $0x0  }
0x1f: {  	s9 =	smul.u32 $0xF7A, s1;
	s8 =	simm.s32 @!p0 $0x1BF5;
	p2 =	por !p2, p0  }
0x20: {  	[sflag:s8] =	ssyncset.s32 @!p0 $0xFFFFF086;
	s6 =	sadd.s32 @!p0 s3, s7;
	s7 =	simm.s32 @!p0 $0x108  }
0x21: {  	s3 =	sadd.s32 s3, s9;
	s6 =	sadd.s32 @!p0 $0x88, s6;
	s7 =	simm.s32 @p2 $0x1082  }
0x22: {  	[simem:s7], [sflag:s8] =	dma.local @!p0 [hbm:s6], $0xF7A  }
0x23: {  	s9 =	sor.u32 $0xD0000000, s2;
	s6 =	simm.s32 $0x108;
	_ =	swait.ge @!p0 [sflag:s8], $0x0  }
0x24: {  	s3 =	sadd.s32 $0x88, s3;
	s6 =	simm.s32 @!p1 $0x1082;
	[sflag:s4] =	ssyncset.s32 $0xFFFFF086  }
0x25: {  	[simem:s6], [sflag:s4] =	dma.local [hbm:s3], $0xF7A  }
0x26: {  	[smem:$0x3F9E] =	sst s1;
	(tag) =	ssettag s2;
	_ =	strace s9  }
0x27: {  	s1 =	sld [smem:$0x3FAE]  }
0x28: {  	s2 =	sld [smem:$0x3FAF]  }
0x29: {  	s4 =	sld [smem:$0x3FB1]  }
0x2a: {  	p0 =	seq.s32 s5, $0x0;
	s5 =	sld [smem:$0x3FB2]  }
0x2b: {  	s6 =	sld [smem:$0x3FB3]  }
0x2c: {  	s7 =	sld [smem:$0x3FB4]  }
0x2d: {  	s3 =	simm.s32 $0x108;
	s8 =	sld [smem:$0x3FB5]  }
0x2e: {  	s3 =	simm.s32 @!p0 $0x1082;
	s9 =	sld [smem:$0x3FB6]  }
0x2f: {  	lr =	sadd.s32 s0, s3;
	s0 =	sld [smem:$0x3FAD]  }
0x30: {  	s3 =	sld [smem:$0x3FB0]  }
0x31: {  	[smem:$0x3FB9] =	sst s10  }
0x32: {  	s10 =	sld [smem:$0x3FB7];
	_ =	sdelay $0x3  }
0x33: {  	p0 =	seq.s32 s10, $0x1;
	s10 =	sld [smem:$0x3FB9];
	_ =	sdelay $0x3  }
0x34: {  	[smem:$0x3FB9] =	sst s10  }
0x35: {  	s10 =	sld [smem:$0x3FB8];
	_ =	sdelay $0x3  }
0x36: {  	p1 =	seq.s32 s10, $0x1;
	s10 =	sld [smem:$0x3FB9];
	_ =	sdelay $0x3  }
0x37: {  	[smem:$0x3FB9] =	sst s10  }
0x38: {  	s10 =	sld [smem:$0x3FBA]  }
0x39: {  	_ = 	snop;
	(pc) =	sbr.ind lr, $3  }
0x3a: {  	_ = 	snop  }
0x3b: {  	_ = 	snop  }
0x3c: {  	p2 =	seq.s32 s10, $0x1;
	s10 =	sld [smem:$0x3FB9]  }
0x3d: {  	_ =	shalt  }
0x3e: {  	_ =	shalt  }
0x3f: {  	_ =	shalt  }
0x40: {  	_ =	shalt  }
0x41: {  	_ =	shalt  }
0x42: {  	_ =	shalt  }
0x43: {  	_ =	shalt  }
0x44: {  	_ =	shalt  }
0x45: {  	_ =	shalt  }
0x46: {  	_ =	shalt  }
0x47: {  	_ =	shalt  }
0x48: {  	_ =	shalt  }
0x49: {  	_ =	shalt  }
0x4a: {  	_ =	shalt  }
0x4b: {  	_ =	shalt  }
0x4c: {  	_ =	shalt  }
0x4d: {  	_ =	shalt  }
0x4e: {  	_ =	shalt  }
0x4f: {  	_ =	shalt  }
0x50: {  	_ =	shalt  }
0x51: {  	_ =	shalt  }
0x52: {  	_ =	shalt  }
0x53: {  	_ =	shalt  }
0x54: {  	_ =	shalt  }
0x55: {  	_ =	shalt  }
0x56: {  	_ =	shalt  }
0x57: {  	_ =	shalt  }
0x58: {  	_ =	shalt  }
0x59: {  	_ =	shalt  }
0x5a: {  	_ =	shalt  }
0x5b: {  	_ =	shalt  }
0x5c: {  	_ =	shalt  }
0x5d: {  	_ =	shalt  }
0x5e: {  	_ =	shalt  }
0x5f: {  	_ =	shalt  }
0x60: {  	_ =	shalt  }
0x61: {  	_ =	shalt  }
0x62: {  	_ =	shalt  }
0x63: {  	_ =	shalt  }
0x64: {  	_ =	shalt  }
0x65: {  	_ =	shalt  }
0x66: {  	_ =	shalt  }
0x67: {  	_ =	shalt  }
0x68: {  	_ =	shalt  }
0x69: {  	_ =	shalt  }
0x6a: {  	_ =	shalt  }
0x6b: {  	_ =	shalt  }
0x6c: {  	_ =	shalt  }
0x6d: {  	_ =	shalt  }
0x6e: {  	_ =	shalt  }
0x6f: {  	_ =	shalt  }
0x70: {  	_ =	shalt  }
0x71: {  	_ =	shalt  }
0x72: {  	_ =	shalt  }
0x73: {  	_ =	shalt  }
0x74: {  	_ =	shalt  }
0x75: {  	_ =	shalt  }
0x76: {  	_ =	shalt  }
0x77: {  	_ =	shalt  }
0x78: {  	_ =	shalt  }
0x79: {  	_ =	shalt  }
0x7a: {  	_ =	shalt  }
0x7b: {  	_ =	shalt  }
0x7c: {  	_ =	shalt  }
0x7d: {  	_ =	shalt  }
0x7e: {  	_ =	shalt  }
0x7f: {  	_ =	shalt  }
0x80: {  	_ =	shalt  }
0x81: {  	_ =	shalt  }
0x82: {  	_ =	shalt  }
0x83: {  	_ =	shalt  }
0x84: {  	_ =	shalt  }
0x85: {  	_ =	shalt  }
0x86: {  	_ =	shalt  }
0x87: {  	_ =	shalt  }
.Lfunc_end0:
.L_simem_size_0:
called_computation_lowered:
.L_overlay_start_0:
0x88: {  	s2 =	sld [smem:$0x3FD9]  }
0x89: {  	s3 =	sld [smem:$0x3FFE];
	_ =	sdelay $0x1  }
0x8a: {  	s1 =	srdreg.scid  }
0x8b: {  	s0 =	sand.u32 $0x1, s1  }
0x8c: {  	s14 =	sshll.u32 s0, $0xA;
	s2 =	sadd.s32 s3, s2  }
0x8d: {  	s2 =	sadd.s32 s2, s14  }
0x8e: {  	[smem:$0x3FC5] =	sst s2  }
0x8f: {  	_ = 	snop  }
0x90: {  	s2 =	sld [smem:$0x3FD0];
	_ =	sdelay $0x2  }
0x91: {  	s4 =	simm.s32 $0xA;
	s5 =	simm.s32 $0x10;
	s15 =	sld [smem:$0x3FC8]  }
0x92: {  	[smem:s5], [sflag:s4] =	dma.local [hbm:s2], $0x1  }
0x93: {  	_ =	swait.eq [sflag:s4], $0x1  }
0x94: {  	[sflag:s4] =	ssyncset.done $0x0  }
0x95: {  	s16 =	sld [smem:$0x10];
	[sflag:s4] =	ssyncadd.s32 $0xFFFFFFFF  }
0x96: {  	s17 =	sld [smem:$0x11];
	(tm) =	ssettm $0x1  }
0x97: {  	s18 =	sld [smem:$0x3FFB];
	_ =	sdelay $0x3  }
0x98: {  	_ =	strace s18  }
0x99: {  	s5 =	sld [smem:$0x3FFC];
	_ =	sdelay $0x3  }
0x9a: {  	_ =	strace s5  }
0x9b: {  	s5 =	sld [smem:$0x3FFD];
	_ =	sdelay $0x3  }
0x9c: {  	_ =	strace s5  }
0x9d: {  	_ =	strace $0x8FFFFFFF  }
0x9e: {  	s19 =	sld [smem:$0x3FDB];
	_ =	sdelay $0x1  }
0x9f: {  	s6 =	simm.s32 $_scs_section_size  }
0xa0: {  	s7 =	simm.s32 $_size__tile_overlayer_lowered;
	s8 =	simm.s32 $_tile_overlayer_lowered  }
0xa1: {  	s22 =	simm.s32 $0x1BFF;
	s21 =	sshll.u32 s8, $0x1;
	s5 =	sadd.s32 s6, s19  }
0xa2: {  	s9 =	simm.s32 $0x0;
	s20 =	sshll.u32 s7, $0x1;
	s7 =	sadd.s32 s21, s5  }
0xa3: {  	[timem:s9], [sflag:s22] =	dma.local [hbm:s7], s20  }
0xa4: {  	_ =	swait.ge [sflag:s22], s20  }
0xa5: {  	s6 =	ssub.s32 $0x0, s20;
	[sflag:s22] =	ssyncset.done $0x0  }
0xa6: {  	[sflag:s22] =	ssyncadd.s32 s6;
	_ =	sdelay $0x1  }
0xa7: {  	s23 =	simm.s32 $0x1B8B  }
0xa8: {  	_ =	swait.ge [sflag:s23], $0x1  }
0xa9: {  	[sflag:s23] =	ssyncset.done $0x0  }
0xaa: {  	s25 =	simm.s32 $0x1B8E;
	s24 =	sld [smem:$0x3FFE];
	[sflag:s23] =	ssyncadd.s32 $0xFFFFFFFF  }
0xab: {  	s26 =	simm.s32 $execute0_lowered;
	[smem:$0x3FD2] =	sst s25  }
0xac: {  	s7 =	sshll.u32 s26, $0x1;
	_ =	strace $0x80000046;
	[dreg:$0x1] =	wrdreg $0xFFFFFFFF  }
0xad: {  	s28 =	simm.s32 $_size_execute0_lowered;
	s5 =	sadd.s32 s5, s7;
	[dreg:$0x0] =	wrdreg $0x0  }
0xae: {  	s7 =	sshll.u32 s28, $0x1;
	[dreg:$0x2] =	wrdreg s5  }
0xaf: {  	[dreg:$0x3] =	wrdreg s7  }
0xb0: {  	[dreg:$0x4] =	wrdreg $0xC0  }
0xb1: {  	_ =	task [dreg:s9], $0x5FFFF  }
0xb2: {  	[dreg:$0x1] =	wrdreg $0xFFFFFFFF  }
0xb3: {  	[dreg:$0x0] =	wrdreg $0x60  }
0xb4: {  	[dreg:$0x2] =	wrdreg s24  }
0xb5: {  	[dreg:$0x3] =	wrdreg s15  }
0xb6: {  	[dreg:$0x4] =	wrdreg s16  }
0xb7: {  	[dreg:$0x5] =	wrdreg s17  }
0xb8: {  	[dreg:$0x6] =	wrdreg $0x184000  }
0xb9: {  	[dreg:$0x7] =	wrdreg $0x9  }
0xba: {  	_ =	task.clear_ibuf [dreg:s9], $0x8FFFF;
	_ =	strace $0x90000046  }
0xbb: {  	s29 =	simm.s32 $0x9;
	_ =	strace $0x80000048  }
0xbc: {  	_ =	swait.ge [sflag:s29], $0x1  }
0xbd: {  	[sflag:s29] =	ssyncadd.s32 $0xFFFFFFFF  }
0xbe: {  	_ =	strace $0x90000048  }
0xbf: {  	_ =	sfence  }
0xc0: {  	s30 =	sld [smem:$0x0];
	_ =	sdelay $0x2  }
0xc1: {  	s31 =	sshll.u32 s1, $0xD;
	s1 =	sshrl.u32 s1, $0x2  }
0xc2: {  	s3 =	sand.u32 $0x4000, s31;
	s1 =	sadd.s32 s1, s30  }
0xc3: {  	s0 =	sor.u32 s3, s0;
	s1 =	sshll.u32 s1, $0x11  }
0xc4: {  	s0 =	sor.u32 s1, s0  }
0xc5: {  	s0 =	sadd.s32 $0x8F2B, s0  }
0xc6: {  	[sflag:s0] =	ssyncadd.remote.s32 $0x1  }
0xc7: {  	_ =	sfence.sel $0xFFFF  }
0xc8: {  	[dreg:$0x0] =	wrdreg $0xFFFFFFFF;
	(pc) =	sbr.abs _section_cstart, $3  }
0xc9: {  	[dreg:$0x1] =	wrdreg $0xFFFFFFFF  }
0xca: {  	_ =	task.clear_ibuf [dreg:s9], $0x2FFFF;
	_ =	strace $0x9FFFFFFF  }
0xcb: {  	(tm) =	ssettm $0x7FFFFFFF  }
tec
execute0_lowered:
.L_overlay_start_1:
0x0: {  	(tag) =	ssettag $0x1  }
0x1: {  	s0 =	rddreg [dreg:$0x0]  }
0x2: {  	s1 =	rddreg [dreg:$0x1]  }
0x3: {  	s4 =	rddreg [dreg:$0x2];
	s3 =	srdreg.scid  }
0x4: {  	s7 =	rddreg [dreg:$0x3];
	s5 =	sand.u32 $0x1, s3;
	s3 =	simm.s32 $0x0  }
0x5: {  	s8 =	stileid.u32;
	s11 =	sadd.s32 $0xA00, s0;
	[smem:$0x7FF] =	sst s3  }
0x6: {  	s24 =	simm.s32 $0x18280;
	_ =	strace $0x80000047;
	[dreg:$0x6] =	wrdreg s11  }
0x7: {  	s25 =	simm.s32 $0x100;
	s26 =	simm.s32 $0x18300;
	[dreg:$0x11] =	wrdreg s24  }
0x8: {  	s30 =	simm.s32 $0x180;
	s31 =	simm.s32 $0x18380;
	[dreg:$0x12] =	wrdreg s25  }
0x9: {  	s28 =	simm.s32 $0x4;
	s29 =	simm.s32 $0x5;
	[dreg:$0x13] =	wrdreg s26  }
0xa: {  	s6 =	sshll.u32 s8, $0x7;
	s9 =	sshll.u32 s5, $0x6;
	[dreg:$0x14] =	wrdreg s30  }
0xb: {  	p0 =	sne.s32 s8, $0x0;
	s9 =	sor.u32 s9, s6;
	[dreg:$0x15] =	wrdreg s31  }
0xc: {  	s10 =	smul.u32 $0x300, s9;
	s0 =	sadd.s32 s9, s0;
	s23 =	sadd.s32 s7, s9  }
0xd: {  	s5 =	ssub.s32 $0x2, s5;
	s0 =	sadd.s32 $0x200, s0;
	[dreg:$0x10] =	wrdreg s23  }
0xe: {  	s12 =	smul.u32 $0x1800, s9;
	s10 =	sadd.s32 s4, s10;
	[dreg:$0x7] =	wrdreg s0  }
0xf: {  	s18 =	sshrl.u32 s5, $0x1;
	s13 =	sadd.s32 $0xC00, s10;
	[dreg:$0x16] =	wrdreg s10  }
0x10: {  	s6 =	sshrl.u32 s12, $0x3;
	s14 =	sadd.s32 $0x2400, s10;
	[dreg:$0x8] =	wrdreg s13  }
0x11: {  	s15 =	sadd.s32 $0x3C00, s10;
	s4 =	sadd.s32 s4, s6;
	[dreg:$0x9] =	wrdreg s14  }
0x12: {  	s24 =	simm.s32 $0x1;
	[dreg:$0xa] =	wrdreg s15;
	s16 =	sadd.s32 $0x5400, s4  }
0x13: {  	s25 =	simm.s32 $0x3;
	s17 =	sadd.s32 $0x6C00, s4;
	[dreg:$0xb] =	wrdreg s16  }
0x14: {  	s26 =	simm.s32 $0x2;
	s19 =	sadd.s32 $0x8400, s4;
	[dreg:$0xc] =	wrdreg s17  }
0x15: {  	v2 =	vlaneseq.u32;
	s20 =	ssub.s32 s5, s18;
	s21 =	sadd.s32 $0x9C00, s4;
	[dreg:$0xd] =	wrdreg s19  }
0x16: {  	vm0 =	vmmov $0xffff;
	v1 =	vshrl.u32 v2, $0x3;
	s5 =	sadd.s32 $0x100, s1;
	s22 =	sadd.s32 $0xB400, s4;
	[dreg:$0xe] =	wrdreg s21  }
0x17: {  	v0 =	vand.u32 $0x7, v2;
	v2 =	vor.u32 $0x8, v2;
	v1 =	vmul.u32 $0x8, v1;
	s7 =	smax.u32 s20, $0x1;
	s6 =	sadd.s32 $0x200, s1;
	[dreg:$0xf] =	wrdreg s22  }
.LBB2_1:
0x18: {  	s30 =	rddreg [dreg:$0x7];
	s0 =	simm.s32 $0x6  }
0x19: {  	[tilespmem:s3], [sflag:$0x6] =	stream.linear.gather [hbm4b:s30+s3], $0x200, $0x38;
	[tilespmem:$0x19C70] =	vst v63  }
0x1a: {  	_ =	swait.ge [sflag:s0], $0x200  }
0x1b: {  	[sflag:s0] =	ssyncset.done $0x0  }
0x1c: {  	[sflag:s0] =	ssyncadd.s32 $0xFFFFFE00  }
0x1d: {  	v3 =	vld [tilespmem:$0x0];
	_ =	sdelay $0x4  }
0x1e: {  	v4 =	vshrl.u32 v3, $0x3  }
0x1f: {  	v4 =	vmul.u32 $0x30, v4  }
0x20: {  	v3 =	vand.u32 $0x7, v3  }
0x21: {  	v3 =	vor.u32 v3, v4  }
0x22: {  	v4 =	vperm.xlane v3, v0;
	_ =	sdelay $0x1  }
0x23: {  	v4 =	vadd.s32 v1, v4;
	_ =	sdelay $0x3  }
0x24: {  	s2 =	simm.s32 $0x200;
	v3 =	vperm.xlane v3, v2  }
0x25: {  	[tilespmem:s2], [sflag:$0x1] =	stream.indirect_vreg.gather [hbm4b:s1+s3], $0x80, v4, vm0, $0xb8;
	[tilespmem:$0x19C70] =	vst v63  }
0x26: {  	s13 =	simm.s32 $0xA00;
	v3 =	vadd.s32 v1, v3  }
0x27: {  	[tilespmem:s13], [sflag:$0x1] =	stream.indirect_vreg.gather [hbm4b:s5+s3], $0x80, v4, vm0, $0xb8;
	[tilespmem:$0x19C70] =	vst v63  }
0x28: {  	s14 =	simm.s32 $0x1200  }
0x29: {  	[tilespmem:s14], [sflag:$0x1] =	stream.indirect_vreg.gather [hbm4b:s6+s3], $0x80, v4, vm0, $0xb8;
	[tilespmem:$0x19C70] =	vst v63  }
0x2a: {  	s15 =	simm.s32 $0x1A00  }
0x2b: {  	[tilespmem:s15], [sflag:$0x1] =	stream.indirect_vreg.gather [hbm4b:s1+s3], $0x80, v3, vm0, $0xb8;
	[tilespmem:$0x19C70] =	vst v63  }
0x2c: {  	s17 =	simm.s32 $0x2200  }
0x2d: {  	[tilespmem:s17], [sflag:$0x1] =	stream.indirect_vreg.gather [hbm4b:s5+s3], $0x80, v3, vm0, $0xb8;
	[tilespmem:$0x19C70] =	vst v63  }
0x2e: {  	s18 =	simm.s32 $0x2A00  }
0x2f: {  	[tilespmem:s18], [sflag:$0x1] =	stream.indirect_vreg.gather [hbm4b:s6+s3], $0x80, v3, vm0, $0xb8;
	[tilespmem:$0x19C70] =	vst v63  }
0x30: {  	v3 =	vld [tilespmem:$0x10];
	_ =	sdelay $0x4  }
0x31: {  	v33 =	vshrl.u32 v3, $0x3  }
0x32: {  	v4 =	vmul.u32 $0x30, v33  }
0x33: {  	v3 =	vand.u32 $0x7, v3  }
0x34: {  	v3 =	vor.u32 v3, v4  }
0x35: {  	v4 =	vperm.xlane v3, v0;
	_ =	sdelay $0x1  }
0x36: {  	v4 =	vadd.s32 v1, v4;
	_ =	sdelay $0x3  }
0x37: {  	s19 =	simm.s32 $0x3200;
	v3 =	vperm.xlane v3, v2  }
0x38: {  	[tilespmem:s19], [sflag:$0x1] =	stream.indirect_vreg.gather [hbm4b:s1+s3], $0x80, v4, vm0, $0xb8;
	[tilespmem:$0x19C70] =	vst v63  }
0x39: {  	s20 =	simm.s32 $0x3A00;
	v3 =	vadd.s32 v1, v3  }
0x3a: {  	[tilespmem:s20], [sflag:$0x1] =	stream.indirect_vreg.gather [hbm4b:s5+s3], $0x80, v4, vm0, $0xb8;
	[tilespmem:$0x19C70] =	vst v63  }
0x3b: {  	s21 =	simm.s32 $0x4200  }
0x3c: {  	[tilespmem:s21], [sflag:$0x1] =	stream.indirect_vreg.gather [hbm4b:s6+s3], $0x80, v4, vm0, $0xb8;
	[tilespmem:$0x19C70] =	vst v63  }
0x3d: {  	s22 =	simm.s32 $0x4A00  }
0x3e: {  	[tilespmem:s22], [sflag:$0x1] =	stream.indirect_vreg.gather [hbm4b:s1+s3], $0x80, v3, vm0, $0xb8;
	[tilespmem:$0x19C70] =	vst v63  }
0x3f: {  	s23 =	simm.s32 $0x5200  }
0x40: {  	[tilespmem:s23], [sflag:$0x1] =	stream.indirect_vreg.gather [hbm4b:s5+s3], $0x80, v3, vm0, $0xb8;
	[tilespmem:$0x19C70] =	vst v63  }
0x41: {  	s30 =	simm.s32 $0x5A00  }
0x42: {  	[tilespmem:s30], [sflag:$0x1] =	stream.indirect_vreg.gather [hbm4b:s6+s3], $0x80, v3, vm0, $0xb8;
	[tilespmem:$0x19C70] =	vst v63  }
0x43: {  	v3 =	vld [tilespmem:$0x20];
	_ =	sdelay $0x4  }
0x44: {  	v34 =	vshrl.u32 v3, $0x3  }
0x45: {  	v4 =	vmul.u32 $0x30, v34  }
0x46: {  	v3 =	vand.u32 $0x7, v3  }
0x47: {  	v3 =	vor.u32 v3, v4  }
0x48: {  	v4 =	vperm.xlane v3, v0;
	_ =	sdelay $0x1  }
0x49: {  	v4 =	vadd.s32 v1, v4;
	_ =	sdelay $0x3  }
0x4a: {  	s31 =	simm.s32 $0xC200;
	v3 =	vperm.xlane v3, v2  }
0x4b: {  	[tilespmem:s31], [sflag:$0x2] =	stream.indirect_vreg.gather [hbm4b:s1+s3], $0x80, v4, vm0, $0xb8;
	[tilespmem:$0x19C70] =	vst v63  }
0x4c: {  	s4 =	simm.s32 $0xCA00;
	v3 =	vadd.s32 v1, v3  }
0x4d: {  	[tilespmem:s4], [sflag:$0x2] =	stream.indirect_vreg.gather [hbm4b:s5+s3], $0x80, v4, vm0, $0xb8;
	[tilespmem:$0x19C70] =	vst v63  }
0x4e: {  	s10 =	simm.s32 $0xD200  }
0x4f: {  	[tilespmem:s10], [sflag:$0x2] =	stream.indirect_vreg.gather [hbm4b:s6+s3], $0x80, v4, vm0, $0xb8;
	[tilespmem:$0x19C70] =	vst v63  }
0x50: {  	s15 =	simm.s32 $0xDA00  }
0x51: {  	[tilespmem:s15], [sflag:$0x2] =	stream.indirect_vreg.gather [hbm4b:s1+s3], $0x80, v3, vm0, $0xb8;
	[tilespmem:$0x19C70] =	vst v63  }
0x52: {  	s18 =	simm.s32 $0xE200  }
0x53: {  	[tilespmem:s18], [sflag:$0x2] =	stream.indirect_vreg.gather [hbm4b:s5+s3], $0x80, v3, vm0, $0xb8;
	[tilespmem:$0x19C70] =	vst v63  }
0x54: {  	s19 =	simm.s32 $0xEA00  }
0x55: {  	[tilespmem:s19], [sflag:$0x2] =	stream.indirect_vreg.gather [hbm4b:s6+s3], $0x80, v3, vm0, $0xb8;
	[tilespmem:$0x19C70] =	vst v63  }
0x56: {  	v3 =	vld [tilespmem:$0x30];
	_ =	sdelay $0x4  }
0x57: {  	v35 =	vshrl.u32 v3, $0x3  }
0x58: {  	v4 =	vmul.u32 $0x30, v35  }
0x59: {  	v3 =	vand.u32 $0x7, v3  }
0x5a: {  	v3 =	vor.u32 v3, v4  }
0x5b: {  	v4 =	vperm.xlane v3, v0;
	_ =	sdelay $0x1  }
0x5c: {  	v4 =	vadd.s32 v1, v4;
	_ =	sdelay $0x3  }
0x5d: {  	s20 =	simm.s32 $0xF200;
	v3 =	vperm.xlane v3, v2  }
0x5e: {  	[tilespmem:s20], [sflag:$0x2] =	stream.indirect_vreg.gather [hbm4b:s1+s3], $0x80, v4, vm0, $0xb8;
	[tilespmem:$0x19C70] =	vst v63  }
0x5f: {  	s21 =	simm.s32 $0xFA00;
	v3 =	vadd.s32 v1, v3  }
0x60: {  	[tilespmem:s21], [sflag:$0x2] =	stream.indirect_vreg.gather [hbm4b:s5+s3], $0x80, v4, vm0, $0xb8;
	[tilespmem:$0x19C70] =	vst v63  }
0x61: {  	s22 =	simm.s32 $0x10200  }
0x62: {  	[tilespmem:s22], [sflag:$0x2] =	stream.indirect_vreg.gather [hbm4b:s6+s3], $0x80, v4, vm0, $0xb8;
	[tilespmem:$0x19C70] =	vst v63  }
0x63: {  	s23 =	simm.s32 $0x10A00  }
0x64: {  	[tilespmem:s23], [sflag:$0x2] =	stream.indirect_vreg.gather [hbm4b:s1+s3], $0x80, v3, vm0, $0xb8;
	[tilespmem:$0x19C70] =	vst v63  }
0x65: {  	s30 =	simm.s32 $0x11200  }
0x66: {  	[tilespmem:s30], [sflag:$0x2] =	stream.indirect_vreg.gather [hbm4b:s5+s3], $0x80, v3, vm0, $0xb8;
	[tilespmem:$0x19C70] =	vst v63  }
0x67: {  	s31 =	simm.s32 $0x11A00  }
0x68: {  	[tilespmem:s31], [sflag:$0x2] =	stream.indirect_vreg.gather [hbm4b:s6+s3], $0x80, v3, vm0, $0xb8;
	[tilespmem:$0x19C70] =	vst v63  }
0x69: {  	v3 =	vld [tilespmem:$0x40];
	_ =	sdelay $0x4  }
0x6a: {  	v36 =	vshrl.u32 v3, $0x3  }
0x6b: {  	v4 =	vmul.u32 $0x30, v36  }
0x6c: {  	v3 =	vand.u32 $0x7, v3  }
0x6d: {  	v3 =	vor.u32 v3, v4  }
0x6e: {  	v4 =	vperm.xlane v3, v0;
	_ =	sdelay $0x1  }
0x6f: {  	v4 =	vadd.s32 v1, v4;
	_ =	sdelay $0x3  }
0x70: {  	s4 =	simm.s32 $0x12200;
	v3 =	vperm.xlane v3, v2  }
0x71: {  	[tilespmem:s4], [sflag:$0x2] =	stream.indirect_vreg.gather [hbm4b:s1+s3], $0x80, v4, vm0, $0xb8;
	[tilespmem:$0x19C70] =	vst v63  }
0x72: {  	s10 =	simm.s32 $0x12A00;
	v3 =	vadd.s32 v1, v3  }
0x73: {  	[tilespmem:s10], [sflag:$0x2] =	stream.indirect_vreg.gather [hbm4b:s5+s3], $0x80, v4, vm0, $0xb8;
	[tilespmem:$0x19C70] =	vst v63  }
0x74: {  	s18 =	simm.s32 $0x13200  }
0x75: {  	[tilespmem:s18], [sflag:$0x2] =	stream.indirect_vreg.gather [hbm4b:s6+s3], $0x80, v4, vm0, $0xb8;
	[tilespmem:$0x19C70] =	vst v63  }
0x76: {  	s19 =	simm.s32 $0x13A00  }
0x77: {  	[tilespmem:s19], [sflag:$0x2] =	stream.indirect_vreg.gather [hbm4b:s1+s3], $0x80, v3, vm0, $0xb8;
	[tilespmem:$0x19C70] =	vst v63  }
0x78: {  	s20 =	simm.s32 $0x14200  }
0x79: {  	[tilespmem:s20], [sflag:$0x2] =	stream.indirect_vreg.gather [hbm4b:s5+s3], $0x80, v3, vm0, $0xb8;
	[tilespmem:$0x19C70] =	vst v63  }
0x7a: {  	s21 =	simm.s32 $0x14A00  }
0x7b: {  	[tilespmem:s21], [sflag:$0x2] =	stream.indirect_vreg.gather [hbm4b:s6+s3], $0x80, v3, vm0, $0xb8;
	[tilespmem:$0x19C70] =	vst v63  }
0x7c: {  	v3 =	vld [tilespmem:$0x50];
	_ =	sdelay $0x4  }
0x7d: {  	v37 =	vshrl.u32 v3, $0x3  }
0x7e: {  	v4 =	vmul.u32 $0x30, v37  }
0x7f: {  	v3 =	vand.u32 $0x7, v3  }
0x80: {  	v3 =	vor.u32 v3, v4  }
0x81: {  	v4 =	vperm.xlane v3, v0;
	_ =	sdelay $0x1  }
0x82: {  	v4 =	vadd.s32 v1, v4;
	_ =	sdelay $0x3  }
0x83: {  	s22 =	simm.s32 $0x15200;
	v3 =	vperm.xlane v3, v2  }
0x84: {  	[tilespmem:s22], [sflag:$0x2] =	stream.indirect_vreg.gather [hbm4b:s1+s3], $0x80, v4, vm0, $0xb8;
	[tilespmem:$0x19C70] =	vst v63  }
0x85: {  	s23 =	simm.s32 $0x15A00;
	v3 =	vadd.s32 v1, v3  }
0x86: {  	[tilespmem:s23], [sflag:$0x2] =	stream.indirect_vreg.gather [hbm4b:s5+s3], $0x80, v4, vm0, $0xb8;
	[tilespmem:$0x19C70] =	vst v63  }
0x87: {  	s30 =	simm.s32 $0x16200  }
0x88: {  	[tilespmem:s30], [sflag:$0x2] =	stream.indirect_vreg.gather [hbm4b:s6+s3], $0x80, v4, vm0, $0xb8;
	[tilespmem:$0x19C70] =	vst v63  }
0x89: {  	s31 =	simm.s32 $0x16A00  }
0x8a: {  	[tilespmem:s31], [sflag:$0x2] =	stream.indirect_vreg.gather [hbm4b:s1+s3], $0x80, v3, vm0, $0xb8;
	[tilespmem:$0x19C70] =	vst v63  }
0x8b: {  	s4 =	simm.s32 $0x17200  }
0x8c: {  	[tilespmem:s4], [sflag:$0x2] =	stream.indirect_vreg.gather [hbm4b:s5+s3], $0x80, v3, vm0, $0xb8;
	[tilespmem:$0x19C70] =	vst v63  }
0x8d: {  	s10 =	simm.s32 $0x17A00  }
0x8e: {  	[tilespmem:s10], [sflag:$0x2] =	stream.indirect_vreg.gather [hbm4b:s6+s3], $0x80, v3, vm0, $0xb8;
	[tilespmem:$0x19C70] =	vst v63  }
0x8f: {  	s10 =	rddreg [dreg:$0x4]  }
0x90: {  	s0 =	simm.s32 @!p0 $0x1C06;
	s30 =	rddreg [dreg:$0x6];
	s31 =	sshrl.u32 @!p0 s10, $0x3  }
0x91: {  	[spmem:s31], [sflag:s0] =	dma.local @!p0 [hbm:s30], $0x30E0  }
0x92: {  	s0 =	simm.s32 @!p0 $0x6  }
0x93: {  	_ =	swait.ge @!p0 [sflag:s0], $0x30E0  }
0x94: {  	[sflag:s0] =	ssyncset.done @!p0 $0x0  }
0x95: {  	[sflag:s0] =	ssyncadd.s32 @!p0 $0xFFFFCF20  }
0x96: {  	[bflag:$0x0] =	sbarrier.arrive $0xFFFF  }
0x97: {  	s21 =	simm.s32 $0x80;
	s4 =	simm.s32 $0x18200;
	s18 =	rddreg [dreg:$0x11]  }
0x98: {  	[tilespmem:s4], [sflag:$0x5] =	stream.indirect.gather [spmem:s10], $0x1, s3, s21, $0xb8;
	[tilespmem:$0x19C70] =	vst v63  }
0x99: {  	s19 =	rddreg [dreg:$0x12]  }
0x9a: {  	s20 =	rddreg [dreg:$0x13]  }
0x9b: {  	[tilespmem:s18], [sflag:$0x5] =	stream.indirect.gather [spmem:s10], $0x1, s21, s21, $0xb8;
	[tilespmem:$0x19C70] =	vst v63  }
0x9c: {  	s22 =	rddreg [dreg:$0x14]  }
0x9d: {  	[tilespmem:s20], [sflag:$0x5] =	stream.indirect.gather [spmem:s10], $0x1, s19, s21, $0xb8;
	[tilespmem:$0x19C70] =	vst v63  }
0x9e: {  	s23 =	rddreg [dreg:$0x15]  }
0x9f: {  	[tilespmem:s23], [sflag:$0x5] =	stream.indirect.gather [spmem:s10], $0x1, s22, s21, $0xb8;
	[tilespmem:$0x19C70] =	vst v63  }
0xa0: {  	_ =	swait.ge [sflag:s24], $0x6000  }
0xa1: {  	[sflag:s24] =	ssyncset.done $0x0  }
0xa2: {  	s10 =	rddreg [dreg:$0x16];
	[sflag:s24] =	ssyncadd.s32 $0xFFFFA000  }
0xa3: {  	[hbm4b:s10+s3] =	stream.linear.scatter [tilespmem:s2], [sflag:$0x3], $0x6000, $0x38;
	[tilespmem:$0x19C70] =	vst v63  }
0xa4: {  	_ =	swait.ge [sflag:s25], $0x6000  }
0xa5: {  	[sflag:s25] =	ssyncset.done $0x0  }
0xa6: {  	[sflag:s25] =	ssyncadd.s32 $0xFFFFA000  }
0xa7: {  	v3 =	vld [tilespmem:$0x60];
	_ =	sdelay $0x4  }
0xa8: {  	v38 =	vshrl.u32 v3, $0x3  }
0xa9: {  	v4 =	vmul.u32 $0x30, v38  }
0xaa: {  	v3 =	vand.u32 $0x7, v3  }
0xab: {  	v3 =	vor.u32 v3, v4  }
0xac: {  	v4 =	vperm.xlane v3, v0;
	_ =	sdelay $0x1  }
0xad: {  	v4 =	vadd.s32 v1, v4;
	_ =	sdelay $0x3  }
0xae: {  	v3 =	vperm.xlane v3, v2  }
0xaf: {  	[tilespmem:s2], [sflag:$0x1] =	stream.indirect_vreg.gather [hbm4b:s1+s3], $0x80, v4, vm0, $0xb8;
	[tilespmem:$0x19C70] =	vst v63  }
0xb0: {  	s16 =	simm.s32 $0xA00;
	v3 =	vadd.s32 v1, v3  }
0xb1: {  	[tilespmem:s16], [sflag:$0x1] =	stream.indirect_vreg.gather [hbm4b:s5+s3], $0x80, v4, vm0, $0xb8;
	[tilespmem:$0x19C70] =	vst v63  }
0xb2: {  	s9 =	simm.s32 $0x1200  }
0xb3: {  	[tilespmem:s9], [sflag:$0x1] =	stream.indirect_vreg.gather [hbm4b:s6+s3], $0x80, v4, vm0, $0xb8;
	[tilespmem:$0x19C70] =	vst v63  }
0xb4: {  	s8 =	simm.s32 $0x1A00  }
0xb5: {  	[tilespmem:s8], [sflag:$0x1] =	stream.indirect_vreg.gather [hbm4b:s1+s3], $0x80, v3, vm0, $0xb8;
	[tilespmem:$0x19C70] =	vst v63  }
0xb6: {  	s11 =	simm.s32 $0x2200  }
0xb7: {  	[tilespmem:s11], [sflag:$0x1] =	stream.indirect_vreg.gather [hbm4b:s5+s3], $0x80, v3, vm0, $0xb8;
	[tilespmem:$0x19C70] =	vst v63  }
0xb8: {  	s17 =	simm.s32 $0x2A00  }
0xb9: {  	[tilespmem:s17], [sflag:$0x1] =	stream.indirect_vreg.gather [hbm4b:s6+s3], $0x80, v3, vm0, $0xb8;
	[tilespmem:$0x19C70] =	vst v63  }
0xba: {  	v3 =	vld [tilespmem:$0x70];
	_ =	sdelay $0x4  }
0xbb: {  	v39 =	vshrl.u32 v3, $0x3  }
0xbc: {  	v4 =	vmul.u32 $0x30, v39  }
0xbd: {  	v3 =	vand.u32 $0x7, v3  }
0xbe: {  	v3 =	vor.u32 v3, v4  }
0xbf: {  	v4 =	vperm.xlane v3, v0;
	_ =	sdelay $0x1  }
0xc0: {  	v4 =	vadd.s32 v1, v4;
	_ =	sdelay $0x3  }
0xc1: {  	s19 =	simm.s32 $0x3200;
	v3 =	vperm.xlane v3, v2  }
0xc2: {  	[tilespmem:s19], [sflag:$0x1] =	stream.indirect_vreg.gather [hbm4b:s1+s3], $0x80, v4, vm0, $0xb8;
	[tilespmem:$0x19C70] =	vst v63  }
0xc3: {  	s12 =	simm.s32 $0x3A00;
	v3 =	vadd.s32 v1, v3  }
0xc4: {  	[tilespmem:s12], [sflag:$0x1] =	stream.indirect_vreg.gather [hbm4b:s5+s3], $0x80, v4, vm0, $0xb8;
	[tilespmem:$0x19C70] =	vst v63  }
0xc5: {  	s13 =	simm.s32 $0x4200  }
0xc6: {  	[tilespmem:s13], [sflag:$0x1] =	stream.indirect_vreg.gather [hbm4b:s6+s3], $0x80, v4, vm0, $0xb8;
	[tilespmem:$0x19C70] =	vst v63  }
0xc7: {  	s14 =	simm.s32 $0x4A00  }
0xc8: {  	[tilespmem:s14], [sflag:$0x1] =	stream.indirect_vreg.gather [hbm4b:s1+s3], $0x80, v3, vm0, $0xb8;
	[tilespmem:$0x19C70] =	vst v63  }
0xc9: {  	s17 =	simm.s32 $0x5200  }
0xca: {  	[tilespmem:s17], [sflag:$0x1] =	stream.indirect_vreg.gather [hbm4b:s5+s3], $0x80, v3, vm0, $0xb8;
	[tilespmem:$0x19C70] =	vst v63  }
0xcb: {  	s20 =	simm.s32 $0x5A00  }
0xcc: {  	[tilespmem:s20], [sflag:$0x1] =	stream.indirect_vreg.gather [hbm4b:s6+s3], $0x80, v3, vm0, $0xb8;
	[tilespmem:$0x19C70] =	vst v63  }
0xcd: {  	v3 =	vld [tilespmem:$0x80];
	_ =	sdelay $0x4  }
0xce: {  	v40 =	vshrl.u32 v3, $0x3  }
0xcf: {  	v4 =	vmul.u32 $0x30, v40  }
0xd0: {  	v3 =	vand.u32 $0x7, v3  }
0xd1: {  	v3 =	vor.u32 v3, v4  }
0xd2: {  	v4 =	vperm.xlane v3, v0;
	_ =	sdelay $0x1  }
0xd3: {  	v4 =	vadd.s32 v1, v4;
	_ =	sdelay $0x3  }
0xd4: {  	s18 =	simm.s32 $0x6200;
	v3 =	vperm.xlane v3, v2  }
0xd5: {  	[tilespmem:s18], [sflag:$0x1] =	stream.indirect_vreg.gather [hbm4b:s1+s3], $0x80, v4, vm0, $0xb8;
	[tilespmem:$0x19C70] =	vst v63  }
0xd6: {  	s21 =	simm.s32 $0x6A00;
	v3 =	vadd.s32 v1, v3  }
0xd7: {  	[tilespmem:s21], [sflag:$0x1] =	stream.indirect_vreg.gather [hbm4b:s5+s3], $0x80, v4, vm0, $0xb8;
	[tilespmem:$0x19C70] =	vst v63  }
0xd8: {  	s22 =	simm.s32 $0x7200  }
0xd9: {  	[tilespmem:s22], [sflag:$0x1] =	stream.indirect_vreg.gather [hbm4b:s6+s3], $0x80, v4, vm0, $0xb8;
	[tilespmem:$0x19C70] =	vst v63  }
0xda: {  	s23 =	simm.s32 $0x7A00  }
0xdb: {  	[tilespmem:s23], [sflag:$0x1] =	stream.indirect_vreg.gather [hbm4b:s1+s3], $0x80, v3, vm0, $0xb8;
	[tilespmem:$0x19C70] =	vst v63  }
0xdc: {  	s30 =	simm.s32 $0x8200  }
0xdd: {  	[tilespmem:s30], [sflag:$0x1] =	stream.indirect_vreg.gather [hbm4b:s5+s3], $0x80, v3, vm0, $0xb8;
	[tilespmem:$0x19C70] =	vst v63  }
0xde: {  	s31 =	simm.s32 $0x8A00  }
0xdf: {  	[tilespmem:s31], [sflag:$0x1] =	stream.indirect_vreg.gather [hbm4b:s6+s3], $0x80, v3, vm0, $0xb8;
	[tilespmem:$0x19C70] =	vst v63  }
0xe0: {  	v3 =	vld [tilespmem:$0x90];
	_ =	sdelay $0x4  }
0xe1: {  	v41 =	vshrl.u32 v3, $0x3  }
0xe2: {  	v4 =	vmul.u32 $0x30, v41  }
0xe3: {  	v3 =	vand.u32 $0x7, v3  }
0xe4: {  	v3 =	vor.u32 v3, v4  }
0xe5: {  	v4 =	vperm.xlane v3, v0;
	_ =	sdelay $0x1  }
0xe6: {  	v4 =	vadd.s32 v1, v4;
	_ =	sdelay $0x3  }
0xe7: {  	s4 =	simm.s32 $0x9200;
	v3 =	vperm.xlane v3, v2  }
0xe8: {  	[tilespmem:s4], [sflag:$0x1] =	stream.indirect_vreg.gather [hbm4b:s1+s3], $0x80, v4, vm0, $0xb8;
	[tilespmem:$0x19C70] =	vst v63  }
0xe9: {  	s8 =	simm.s32 $0x9A00;
	v3 =	vadd.s32 v1, v3  }
0xea: {  	[tilespmem:s8], [sflag:$0x1] =	stream.indirect_vreg.gather [hbm4b:s5+s3], $0x80, v4, vm0, $0xb8;
	[tilespmem:$0x19C70] =	vst v63  }
0xeb: {  	s9 =	simm.s32 $0xA200  }
0xec: {  	[tilespmem:s9], [sflag:$0x1] =	stream.indirect_vreg.gather [hbm4b:s6+s3], $0x80, v4, vm0, $0xb8;
	[tilespmem:$0x19C70] =	vst v63  }
0xed: {  	s10 =	simm.s32 $0xAA00  }
0xee: {  	[tilespmem:s10], [sflag:$0x1] =	stream.indirect_vreg.gather [hbm4b:s1+s3], $0x80, v3, vm0, $0xb8;
	[tilespmem:$0x19C70] =	vst v63  }
0xef: {  	s11 =	simm.s32 $0xB200  }
0xf0: {  	[tilespmem:s11], [sflag:$0x1] =	stream.indirect_vreg.gather [hbm4b:s5+s3], $0x80, v3, vm0, $0xb8;
	[tilespmem:$0x19C70] =	vst v63  }
0xf1: {  	s12 =	simm.s32 $0xBA00  }
0xf2: {  	[tilespmem:s12], [sflag:$0x1] =	stream.indirect_vreg.gather [hbm4b:s6+s3], $0x80, v3, vm0, $0xb8;
	[tilespmem:$0x19C70] =	vst v63  }
0xf3: {  	_ =	swait.ge [sflag:s26], $0xC000  }
0xf4: {  	[sflag:s26] =	ssyncset.done $0x0  }
0xf5: {  	s14 =	simm.s32 $0xC200;
	s13 =	rddreg [dreg:$0x8];
	[sflag:s26] =	ssyncadd.s32 $0xFFFF4000  }
0xf6: {  	[hbm4b:s13+s3] =	stream.linear.scatter [tilespmem:s14], [sflag:$0x4], $0xC000, $0x38;
	[tilespmem:$0x19C70] =	vst v63  }
0xf7: {  	_ =	swait.ge [sflag:s28], $0xC000  }
0xf8: {  	[sflag:s28] =	ssyncset.done $0x0  }
0xf9: {  	[sflag:s28] =	ssyncadd.s32 $0xFFFF4000  }
0xfa: {  	v3 =	vld [tilespmem:$0xA0];
	_ =	sdelay $0x4  }
0xfb: {  	v42 =	vshrl.u32 v3, $0x3  }
0xfc: {  	v4 =	vmul.u32 $0x30, v42  }
0xfd: {  	v3 =	vand.u32 $0x7, v3  }
0xfe: {  	v3 =	vor.u32 v3, v4  }
0xff: {  	v4 =	vperm.xlane v3, v0;
	_ =	sdelay $0x1  }
0x100: {  	v4 =	vadd.s32 v1, v4;
	_ =	sdelay $0x3  }
0x101: {  	v3 =	vperm.xlane v3, v2  }
0x102: {  	[tilespmem:s14], [sflag:$0x2] =	stream.indirect_vreg.gather [hbm4b:s1+s3], $0x80, v4, vm0, $0xb8;
	[tilespmem:$0x19C70] =	vst v63  }
0x103: {  	s22 =	simm.s32 $0xCA00;
	v3 =	vadd.s32 v1, v3  }
0x104: {  	[tilespmem:s22], [sflag:$0x2] =	stream.indirect_vreg.gather [hbm4b:s5+s3], $0x80, v4, vm0, $0xb8;
	[tilespmem:$0x19C70] =	vst v63  }
0x105: {  	s30 =	simm.s32 $0xD200  }
0x106: {  	[tilespmem:s30], [sflag:$0x2] =	stream.indirect_vreg.gather [hbm4b:s6+s3], $0x80, v4, vm0, $0xb8;
	[tilespmem:$0x19C70] =	vst v63  }
0x107: {  	s23 =	simm.s32 $0xDA00  }
0x108: {  	[tilespmem:s23], [sflag:$0x2] =	stream.indirect_vreg.gather [hbm4b:s1+s3], $0x80, v3, vm0, $0xb8;
	[tilespmem:$0x19C70] =	vst v63  }
0x109: {  	s18 =	simm.s32 $0xE200  }
0x10a: {  	[tilespmem:s18], [sflag:$0x2] =	stream.indirect_vreg.gather [hbm4b:s5+s3], $0x80, v3, vm0, $0xb8;
	[tilespmem:$0x19C70] =	vst v63  }
0x10b: {  	s31 =	simm.s32 $0xEA00  }
0x10c: {  	[tilespmem:s31], [sflag:$0x2] =	stream.indirect_vreg.gather [hbm4b:s6+s3], $0x80, v3, vm0, $0xb8;
	[tilespmem:$0x19C70] =	vst v63  }
0x10d: {  	v3 =	vld [tilespmem:$0xB0];
	_ =	sdelay $0x4  }
0x10e: {  	v43 =	vshrl.u32 v3, $0x3  }
0x10f: {  	v4 =	vmul.u32 $0x30, v43  }
0x110: {  	v3 =	vand.u32 $0x7, v3  }
0x111: {  	v3 =	vor.u32 v3, v4  }
0x112: {  	v4 =	vperm.xlane v3, v0;
	_ =	sdelay $0x1  }
0x113: {  	v4 =	vadd.s32 v1, v4;
	_ =	sdelay $0x3  }
0x114: {  	s15 =	simm.s32 $0xF200;
	v3 =	vperm.xlane v3, v2  }
0x115: {  	[tilespmem:s15], [sflag:$0x2] =	stream.indirect_vreg.gather [hbm4b:s1+s3], $0x80, v4, vm0, $0xb8;
	[tilespmem:$0x19C70] =	vst v63  }
0x116: {  	s16 =	simm.s32 $0xFA00;
	v3 =	vadd.s32 v1, v3  }
0x117: {  	[tilespmem:s16], [sflag:$0x2] =	stream.indirect_vreg.gather [hbm4b:s5+s3], $0x80, v4, vm0, $0xb8;
	[tilespmem:$0x19C70] =	vst v63  }
0x118: {  	s9 =	simm.s32 $0x10200  }
0x119: {  	[tilespmem:s9], [sflag:$0x2] =	stream.indirect_vreg.gather [hbm4b:s6+s3], $0x80, v4, vm0, $0xb8;
	[tilespmem:$0x19C70] =	vst v63  }
0x11a: {  	s8 =	simm.s32 $0x10A00  }
0x11b: {  	[tilespmem:s8], [sflag:$0x2] =	stream.indirect_vreg.gather [hbm4b:s1+s3], $0x80, v3, vm0, $0xb8;
	[tilespmem:$0x19C70] =	vst v63  }
0x11c: {  	s11 =	simm.s32 $0x11200  }
0x11d: {  	[tilespmem:s11], [sflag:$0x2] =	stream.indirect_vreg.gather [hbm4b:s5+s3], $0x80, v3, vm0, $0xb8;
	[tilespmem:$0x19C70] =	vst v63  }
0x11e: {  	s15 =	simm.s32 $0x11A00  }
0x11f: {  	[tilespmem:s15], [sflag:$0x2] =	stream.indirect_vreg.gather [hbm4b:s6+s3], $0x80, v3, vm0, $0xb8;
	[tilespmem:$0x19C70] =	vst v63  }
0x120: {  	v3 =	vld [tilespmem:$0xC0];
	_ =	sdelay $0x4  }
0x121: {  	v44 =	vshrl.u32 v3, $0x3  }
0x122: {  	v4 =	vmul.u32 $0x30, v44  }
0x123: {  	v3 =	vand.u32 $0x7, v3  }
0x124: {  	v3 =	vor.u32 v3, v4  }
0x125: {  	v4 =	vperm.xlane v3, v0;
	_ =	sdelay $0x1  }
0x126: {  	v4 =	vadd.s32 v1, v4;
	_ =	sdelay $0x3  }
0x127: {  	s21 =	simm.s32 $0x12200;
	v3 =	vperm.xlane v3, v2  }
0x128: {  	[tilespmem:s21], [sflag:$0x2] =	stream.indirect_vreg.gather [hbm4b:s1+s3], $0x80, v4, vm0, $0xb8;
	[tilespmem:$0x19C70] =	vst v63  }
0x129: {  	s12 =	simm.s32 $0x12A00;
	v3 =	vadd.s32 v1, v3  }
0x12a: {  	[tilespmem:s12], [sflag:$0x2] =	stream.indirect_vreg.gather [hbm4b:s5+s3], $0x80, v4, vm0, $0xb8;
	[tilespmem:$0x19C70] =	vst v63  }
0x12b: {  	s13 =	simm.s32 $0x13200  }
0x12c: {  	[tilespmem:s13], [sflag:$0x2] =	stream.indirect_vreg.gather [hbm4b:s6+s3], $0x80, v4, vm0, $0xb8;
	[tilespmem:$0x19C70] =	vst v63  }
0x12d: {  	s14 =	simm.s32 $0x13A00  }
0x12e: {  	[tilespmem:s14], [sflag:$0x2] =	stream.indirect_vreg.gather [hbm4b:s1+s3], $0x80, v3, vm0, $0xb8;
	[tilespmem:$0x19C70] =	vst v63  }
0x12f: {  	s15 =	simm.s32 $0x14200  }
0x130: {  	[tilespmem:s15], [sflag:$0x2] =	stream.indirect_vreg.gather [hbm4b:s5+s3], $0x80, v3, vm0, $0xb8;
	[tilespmem:$0x19C70] =	vst v63  }
0x131: {  	s10 =	simm.s32 $0x14A00  }
0x132: {  	[tilespmem:s10], [sflag:$0x2] =	stream.indirect_vreg.gather [hbm4b:s6+s3], $0x80, v3, vm0, $0xb8;
	[tilespmem:$0x19C70] =	vst v63  }
0x133: {  	v3 =	vld [tilespmem:$0xD0];
	_ =	sdelay $0x4  }
0x134: {  	v45 =	vshrl.u32 v3, $0x3  }
0x135: {  	v4 =	vmul.u32 $0x30, v45  }
0x136: {  	v3 =	vand.u32 $0x7, v3  }
0x137: {  	v3 =	vor.u32 v3, v4  }
0x138: {  	v4 =	vperm.xlane v3, v0;
	_ =	sdelay $0x1  }
0x139: {  	v4 =	vadd.s32 v1, v4;
	_ =	sdelay $0x3  }
0x13a: {  	s21 =	simm.s32 $0x15200;
	v3 =	vperm.xlane v3, v2  }
0x13b: {  	[tilespmem:s21], [sflag:$0x2] =	stream.indirect_vreg.gather [hbm4b:s1+s3], $0x80, v4, vm0, $0xb8;
	[tilespmem:$0x19C70] =	vst v63  }
0x13c: {  	s10 =	simm.s32 $0x15A00;
	v3 =	vadd.s32 v1, v3  }
0x13d: {  	[tilespmem:s10], [sflag:$0x2] =	stream.indirect_vreg.gather [hbm4b:s5+s3], $0x80, v4, vm0, $0xb8;
	[tilespmem:$0x19C70] =	vst v63  }
0x13e: {  	s10 =	simm.s32 $0x16200  }
0x13f: {  	[tilespmem:s10], [sflag:$0x2] =	stream.indirect_vreg.gather [hbm4b:s6+s3], $0x80, v4, vm0, $0xb8;
	[tilespmem:$0x19C70] =	vst v63  }
0x140: {  	s21 =	simm.s32 $0x16A00  }
0x141: {  	[tilespmem:s21], [sflag:$0x2] =	stream.indirect_vreg.gather [hbm4b:s1+s3], $0x80, v3, vm0, $0xb8;
	[tilespmem:$0x19C70] =	vst v63  }
0x142: {  	s0 =	simm.s32 $0x17200  }
0x143: {  	[tilespmem:s0], [sflag:$0x2] =	stream.indirect_vreg.gather [hbm4b:s5+s3], $0x80, v3, vm0, $0xb8;
	[tilespmem:$0x19C70] =	vst v63  }
0x144: {  	s0 =	simm.s32 $0x17A00  }
0x145: {  	[tilespmem:s0], [sflag:$0x2] =	stream.indirect_vreg.gather [hbm4b:s6+s3], $0x80, v3, vm0, $0xb8;
	[tilespmem:$0x19C70] =	vst v63  }
0x146: {  	_ =	swait.ge [sflag:s24], $0xC000  }
0x147: {  	[sflag:s24] =	ssyncset.done $0x0  }
0x148: {  	s0 =	rddreg [dreg:$0x9];
	[sflag:s24] =	ssyncadd.s32 $0xFFFF4000  }
0x149: {  	[hbm4b:s0+s3] =	stream.linear.scatter [tilespmem:s2], [sflag:$0x3], $0xC000, $0x38;
	[tilespmem:$0x19C70] =	vst v63  }
0x14a: {  	_ =	swait.ge [sflag:s25], $0xC000  }
0x14b: {  	[sflag:s25] =	ssyncset.done $0x0  }
0x14c: {  	[sflag:s25] =	ssyncadd.s32 $0xFFFF4000  }
0x14d: {  	v3 =	vld [tilespmem:$0xE0];
	_ =	sdelay $0x4  }
0x14e: {  	v46 =	vshrl.u32 v3, $0x3  }
0x14f: {  	v4 =	vmul.u32 $0x30, v46  }
0x150: {  	v3 =	vand.u32 $0x7, v3  }
0x151: {  	v3 =	vor.u32 v3, v4  }
0x152: {  	v4 =	vperm.xlane v3, v0;
	_ =	sdelay $0x1  }
0x153: {  	v4 =	vadd.s32 v1, v4;
	_ =	sdelay $0x3  }
0x154: {  	v3 =	vperm.xlane v3, v2  }
0x155: {  	[tilespmem:s2], [sflag:$0x1] =	stream.indirect_vreg.gather [hbm4b:s1+s3], $0x80, v4, vm0, $0xb8;
	[tilespmem:$0x19C70] =	vst v63  }
0x156: {  	s0 =	simm.s32 $0xA00;
	v3 =	vadd.s32 v1, v3  }
0x157: {  	[tilespmem:s0], [sflag:$0x1] =	stream.indirect_vreg.gather [hbm4b:s5+s3], $0x80, v4, vm0, $0xb8;
	[tilespmem:$0x19C70] =	vst v63  }
0x158: {  	s0 =	simm.s32 $0x1200  }
0x159: {  	[tilespmem:s0], [sflag:$0x1] =	stream.indirect_vreg.gather [hbm4b:s6+s3], $0x80, v4, vm0, $0xb8;
	[tilespmem:$0x19C70] =	vst v63  }
0x15a: {  	s0 =	simm.s32 $0x1A00  }
0x15b: {  	[tilespmem:s0], [sflag:$0x1] =	stream.indirect_vreg.gather [hbm4b:s1+s3], $0x80, v3, vm0, $0xb8;
	[tilespmem:$0x19C70] =	vst v63  }
0x15c: {  	s0 =	simm.s32 $0x2200  }
0x15d: {  	[tilespmem:s0], [sflag:$0x1] =	stream.indirect_vreg.gather [hbm4b:s5+s3], $0x80, v3, vm0, $0xb8;
	[tilespmem:$0x19C70] =	vst v63  }
0x15e: {  	s0 =	simm.s32 $0x2A00  }
0x15f: {  	[tilespmem:s0], [sflag:$0x1] =	stream.indirect_vreg.gather [hbm4b:s6+s3], $0x80, v3, vm0, $0xb8;
	[tilespmem:$0x19C70] =	vst v63  }
0x160: {  	v3 =	vld [tilespmem:$0xF0];
	_ =	sdelay $0x4  }
0x161: {  	v47 =	vshrl.u32 v3, $0x3  }
0x162: {  	v4 =	vmul.u32 $0x30, v47  }
0x163: {  	v3 =	vand.u32 $0x7, v3  }
0x164: {  	v3 =	vor.u32 v3, v4  }
0x165: {  	v4 =	vperm.xlane v3, v0;
	_ =	sdelay $0x1  }
0x166: {  	v4 =	vadd.s32 v1, v4;
	_ =	sdelay $0x3  }
0x167: {  	v3 =	vperm.xlane v3, v2  }
0x168: {  	[tilespmem:s19], [sflag:$0x1] =	stream.indirect_vreg.gather [hbm4b:s1+s3], $0x80, v4, vm0, $0xb8;
	[tilespmem:$0x19C70] =	vst v63  }
0x169: {  	v3 =	vadd.s32 v1, v3;
	s19 =	simm.s32 $0x3A00  }
0x16a: {  	[tilespmem:s19], [sflag:$0x1] =	stream.indirect_vreg.gather [hbm4b:s5+s3], $0x80, v4, vm0, $0xb8;
	[tilespmem:$0x19C70] =	vst v63  }
0x16b: {  	s0 =	simm.s32 $0x4200  }
0x16c: {  	[tilespmem:s0], [sflag:$0x1] =	stream.indirect_vreg.gather [hbm4b:s6+s3], $0x80, v4, vm0, $0xb8;
	[tilespmem:$0x19C70] =	vst v63  }
0x16d: {  	s0 =	simm.s32 $0x4A00  }
0x16e: {  	[tilespmem:s0], [sflag:$0x1] =	stream.indirect_vreg.gather [hbm4b:s1+s3], $0x80, v3, vm0, $0xb8;
	[tilespmem:$0x19C70] =	vst v63  }
0x16f: {  	_ = 	snop  }
0x170: {  	[tilespmem:s17], [sflag:$0x1] =	stream.indirect_vreg.gather [hbm4b:s5+s3], $0x80, v3, vm0, $0xb8;
	[tilespmem:$0x19C70] =	vst v63  }
0x171: {  	_ = 	snop  }
0x172: {  	[tilespmem:s20], [sflag:$0x1] =	stream.indirect_vreg.gather [hbm4b:s6+s3], $0x80, v3, vm0, $0xb8;
	[tilespmem:$0x19C70] =	vst v63  }
0x173: {  	v3 =	vld [tilespmem:$0x100];
	_ =	sdelay $0x4  }
0x174: {  	v48 =	vshrl.u32 v3, $0x3  }
0x175: {  	v4 =	vmul.u32 $0x30, v48  }
0x176: {  	v3 =	vand.u32 $0x7, v3  }
0x177: {  	v3 =	vor.u32 v3, v4  }
0x178: {  	v4 =	vperm.xlane v3, v0;
	_ =	sdelay $0x1  }
0x179: {  	v4 =	vadd.s32 v1, v4;
	_ =	sdelay $0x3  }
0x17a: {  	s20 =	simm.s32 $0x6200;
	v3 =	vperm.xlane v3, v2  }
0x17b: {  	[tilespmem:s20], [sflag:$0x1] =	stream.indirect_vreg.gather [hbm4b:s1+s3], $0x80, v4, vm0, $0xb8;
	[tilespmem:$0x19C70] =	vst v63  }
0x17c: {  	s17 =	simm.s32 $0x6A00;
	v3 =	vadd.s32 v1, v3  }
0x17d: {  	[tilespmem:s17], [sflag:$0x1] =	stream.indirect_vreg.gather [hbm4b:s5+s3], $0x80, v4, vm0, $0xb8;
	[tilespmem:$0x19C70] =	vst v63  }
0x17e: {  	s20 =	simm.s32 $0x7200  }
0x17f: {  	[tilespmem:s20], [sflag:$0x1] =	stream.indirect_vreg.gather [hbm4b:s6+s3], $0x80, v4, vm0, $0xb8;
	[tilespmem:$0x19C70] =	vst v63  }
0x180: {  	s17 =	simm.s32 $0x7A00  }
0x181: {  	[tilespmem:s17], [sflag:$0x1] =	stream.indirect_vreg.gather [hbm4b:s1+s3], $0x80, v3, vm0, $0xb8;
	[tilespmem:$0x19C70] =	vst v63  }
0x182: {  	s20 =	simm.s32 $0x8200  }
0x183: {  	[tilespmem:s20], [sflag:$0x1] =	stream.indirect_vreg.gather [hbm4b:s5+s3], $0x80, v3, vm0, $0xb8;
	[tilespmem:$0x19C70] =	vst v63  }
0x184: {  	s17 =	simm.s32 $0x8A00  }
0x185: {  	[tilespmem:s17], [sflag:$0x1] =	stream.indirect_vreg.gather [hbm4b:s6+s3], $0x80, v3, vm0, $0xb8;
	[tilespmem:$0x19C70] =	vst v63  }
0x186: {  	v3 =	vld [tilespmem:$0x110];
	_ =	sdelay $0x4  }
0x187: {  	v49 =	vshrl.u32 v3, $0x3  }
0x188: {  	v4 =	vmul.u32 $0x30, v49  }
0x189: {  	v3 =	vand.u32 $0x7, v3  }
0x18a: {  	v3 =	vor.u32 v3, v4  }
0x18b: {  	v4 =	vperm.xlane v3, v0;
	_ =	sdelay $0x1  }
0x18c: {  	v4 =	vadd.s32 v1, v4;
	_ =	sdelay $0x3  }
0x18d: {  	s20 =	simm.s32 $0x9200;
	v3 =	vperm.xlane v3, v2  }
0x18e: {  	[tilespmem:s20], [sflag:$0x1] =	stream.indirect_vreg.gather [hbm4b:s1+s3], $0x80, v4, vm0, $0xb8;
	[tilespmem:$0x19C70] =	vst v63  }
0x18f: {  	s17 =	simm.s32 $0x9A00;
	v3 =	vadd.s32 v1, v3  }
0x190: {  	[tilespmem:s17], [sflag:$0x1] =	stream.indirect_vreg.gather [hbm4b:s5+s3], $0x80, v4, vm0, $0xb8;
	[tilespmem:$0x19C70] =	vst v63  }
0x191: {  	s20 =	simm.s32 $0xA200  }
0x192: {  	[tilespmem:s20], [sflag:$0x1] =	stream.indirect_vreg.gather [hbm4b:s6+s3], $0x80, v4, vm0, $0xb8;
	[tilespmem:$0x19C70] =	vst v63  }
0x193: {  	s17 =	simm.s32 $0xAA00  }
0x194: {  	[tilespmem:s17], [sflag:$0x1] =	stream.indirect_vreg.gather [hbm4b:s1+s3], $0x80, v3, vm0, $0xb8;
	[tilespmem:$0x19C70] =	vst v63  }
0x195: {  	s20 =	simm.s32 $0xB200  }
0x196: {  	[tilespmem:s20], [sflag:$0x1] =	stream.indirect_vreg.gather [hbm4b:s5+s3], $0x80, v3, vm0, $0xb8;
	[tilespmem:$0x19C70] =	vst v63  }
0x197: {  	s17 =	simm.s32 $0xBA00  }
0x198: {  	[tilespmem:s17], [sflag:$0x1] =	stream.indirect_vreg.gather [hbm4b:s6+s3], $0x80, v3, vm0, $0xb8;
	[tilespmem:$0x19C70] =	vst v63  }
0x199: {  	_ =	swait.ge [sflag:s26], $0xC000  }
0x19a: {  	[sflag:s26] =	ssyncset.done $0x0  }
0x19b: {  	s4 =	simm.s32 $0xC200;
	s20 =	rddreg [dreg:$0xa];
	[sflag:s26] =	ssyncadd.s32 $0xFFFF4000  }
0x19c: {  	[hbm4b:s20+s3] =	stream.linear.scatter [tilespmem:s4], [sflag:$0x4], $0xC000, $0x38;
	[tilespmem:$0x19C70] =	vst v63  }
0x19d: {  	_ =	swait.ge [sflag:s28], $0xC000  }
0x19e: {  	[sflag:s28] =	ssyncset.done $0x0  }
0x19f: {  	[sflag:s28] =	ssyncadd.s32 $0xFFFF4000  }
0x1a0: {  	v3 =	vld [tilespmem:$0x120];
	_ =	sdelay $0x4  }
0x1a1: {  	v50 =	vshrl.u32 v3, $0x3  }
0x1a2: {  	v4 =	vmul.u32 $0x30, v50  }
0x1a3: {  	v3 =	vand.u32 $0x7, v3  }
0x1a4: {  	v3 =	vor.u32 v3, v4  }
0x1a5: {  	v4 =	vperm.xlane v3, v0;
	_ =	sdelay $0x1  }
0x1a6: {  	v4 =	vadd.s32 v1, v4;
	_ =	sdelay $0x3  }
0x1a7: {  	v3 =	vperm.xlane v3, v2  }
0x1a8: {  	[tilespmem:s4], [sflag:$0x2] =	stream.indirect_vreg.gather [hbm4b:s1+s3], $0x80, v4, vm0, $0xb8;
	[tilespmem:$0x19C70] =	vst v63  }
0x1a9: {  	v3 =	vadd.s32 v1, v3  }
0x1aa: {  	[tilespmem:s22], [sflag:$0x2] =	stream.indirect_vreg.gather [hbm4b:s5+s3], $0x80, v4, vm0, $0xb8;
	[tilespmem:$0x19C70] =	vst v63  }
0x1ab: {  	_ = 	snop  }
0x1ac: {  	[tilespmem:s30], [sflag:$0x2] =	stream.indirect_vreg.gather [hbm4b:s6+s3], $0x80, v4, vm0, $0xb8;
	[tilespmem:$0x19C70] =	vst v63  }
0x1ad: {  	_ = 	snop  }
0x1ae: {  	[tilespmem:s23], [sflag:$0x2] =	stream.indirect_vreg.gather [hbm4b:s1+s3], $0x80, v3, vm0, $0xb8;
	[tilespmem:$0x19C70] =	vst v63  }
0x1af: {  	_ = 	snop  }
0x1b0: {  	[tilespmem:s18], [sflag:$0x2] =	stream.indirect_vreg.gather [hbm4b:s5+s3], $0x80, v3, vm0, $0xb8;
	[tilespmem:$0x19C70] =	vst v63  }
0x1b1: {  	_ = 	snop  }
0x1b2: {  	[tilespmem:s31], [sflag:$0x2] =	stream.indirect_vreg.gather [hbm4b:s6+s3], $0x80, v3, vm0, $0xb8;
	[tilespmem:$0x19C70] =	vst v63  }
0x1b3: {  	v3 =	vld [tilespmem:$0x130];
	_ =	sdelay $0x4  }
0x1b4: {  	v51 =	vshrl.u32 v3, $0x3  }
0x1b5: {  	v4 =	vmul.u32 $0x30, v51  }
0x1b6: {  	v3 =	vand.u32 $0x7, v3  }
0x1b7: {  	v3 =	vor.u32 v3, v4  }
0x1b8: {  	v4 =	vperm.xlane v3, v0;
	_ =	sdelay $0x1  }
0x1b9: {  	v4 =	vadd.s32 v1, v4;
	_ =	sdelay $0x3  }
0x1ba: {  	s30 =	simm.s32 $0xF200;
	v3 =	vperm.xlane v3, v2  }
0x1bb: {  	[tilespmem:s30], [sflag:$0x2] =	stream.indirect_vreg.gather [hbm4b:s1+s3], $0x80, v4, vm0, $0xb8;
	[tilespmem:$0x19C70] =	vst v63  }
0x1bc: {  	v3 =	vadd.s32 v1, v3  }
0x1bd: {  	[tilespmem:s16], [sflag:$0x2] =	stream.indirect_vreg.gather [hbm4b:s5+s3], $0x80, v4, vm0, $0xb8;
	[tilespmem:$0x19C70] =	vst v63  }
0x1be: {  	_ = 	snop  }
0x1bf: {  	[tilespmem:s9], [sflag:$0x2] =	stream.indirect_vreg.gather [hbm4b:s6+s3], $0x80, v4, vm0, $0xb8;
	[tilespmem:$0x19C70] =	vst v63  }
0x1c0: {  	_ = 	snop  }
0x1c1: {  	[tilespmem:s8], [sflag:$0x2] =	stream.indirect_vreg.gather [hbm4b:s1+s3], $0x80, v3, vm0, $0xb8;
	[tilespmem:$0x19C70] =	vst v63  }
0x1c2: {  	_ = 	snop  }
0x1c3: {  	[tilespmem:s11], [sflag:$0x2] =	stream.indirect_vreg.gather [hbm4b:s5+s3], $0x80, v3, vm0, $0xb8;
	[tilespmem:$0x19C70] =	vst v63  }
0x1c4: {  	s31 =	simm.s32 $0x11A00  }
0x1c5: {  	[tilespmem:s31], [sflag:$0x2] =	stream.indirect_vreg.gather [hbm4b:s6+s3], $0x80, v3, vm0, $0xb8;
	[tilespmem:$0x19C70] =	vst v63  }
0x1c6: {  	v3 =	vld [tilespmem:$0x140];
	_ =	sdelay $0x4  }
0x1c7: {  	v52 =	vshrl.u32 v3, $0x3  }
0x1c8: {  	v4 =	vmul.u32 $0x30, v52  }
0x1c9: {  	v3 =	vand.u32 $0x7, v3  }
0x1ca: {  	v3 =	vor.u32 v3, v4  }
0x1cb: {  	v4 =	vperm.xlane v3, v0;
	_ =	sdelay $0x1  }
0x1cc: {  	v4 =	vadd.s32 v1, v4;
	_ =	sdelay $0x3  }
0x1cd: {  	s4 =	simm.s32 $0x12200;
	v3 =	vperm.xlane v3, v2  }
0x1ce: {  	[tilespmem:s4], [sflag:$0x2] =	stream.indirect_vreg.gather [hbm4b:s1+s3], $0x80, v4, vm0, $0xb8;
	[tilespmem:$0x19C70] =	vst v63  }
0x1cf: {  	v3 =	vadd.s32 v1, v3  }
0x1d0: {  	[tilespmem:s12], [sflag:$0x2] =	stream.indirect_vreg.gather [hbm4b:s5+s3], $0x80, v4, vm0, $0xb8;
	[tilespmem:$0x19C70] =	vst v63  }
0x1d1: {  	_ = 	snop  }
0x1d2: {  	[tilespmem:s13], [sflag:$0x2] =	stream.indirect_vreg.gather [hbm4b:s6+s3], $0x80, v4, vm0, $0xb8;
	[tilespmem:$0x19C70] =	vst v63  }
0x1d3: {  	_ = 	snop  }
0x1d4: {  	[tilespmem:s14], [sflag:$0x2] =	stream.indirect_vreg.gather [hbm4b:s1+s3], $0x80, v3, vm0, $0xb8;
	[tilespmem:$0x19C70] =	vst v63  }
0x1d5: {  	_ = 	snop  }
0x1d6: {  	[tilespmem:s15], [sflag:$0x2] =	stream.indirect_vreg.gather [hbm4b:s5+s3], $0x80, v3, vm0, $0xb8;
	[tilespmem:$0x19C70] =	vst v63  }
0x1d7: {  	s17 =	simm.s32 $0x14A00  }
0x1d8: {  	[tilespmem:s17], [sflag:$0x2] =	stream.indirect_vreg.gather [hbm4b:s6+s3], $0x80, v3, vm0, $0xb8;
	[tilespmem:$0x19C70] =	vst v63  }
0x1d9: {  	v3 =	vld [tilespmem:$0x150];
	_ =	sdelay $0x4  }
0x1da: {  	v53 =	vshrl.u32 v3, $0x3  }
0x1db: {  	v4 =	vmul.u32 $0x30, v53  }
0x1dc: {  	v3 =	vand.u32 $0x7, v3  }
0x1dd: {  	v3 =	vor.u32 v3, v4  }
0x1de: {  	v4 =	vperm.xlane v3, v0;
	_ =	sdelay $0x1  }
0x1df: {  	v4 =	vadd.s32 v1, v4;
	_ =	sdelay $0x3  }
0x1e0: {  	s4 =	simm.s32 $0x15200;
	v3 =	vperm.xlane v3, v2  }
0x1e1: {  	[tilespmem:s4], [sflag:$0x2] =	stream.indirect_vreg.gather [hbm4b:s1+s3], $0x80, v4, vm0, $0xb8;
	[tilespmem:$0x19C70] =	vst v63  }
0x1e2: {  	v3 =	vadd.s32 v1, v3;
	s4 =	simm.s32 $0x15A00  }
0x1e3: {  	[tilespmem:s4], [sflag:$0x2] =	stream.indirect_vreg.gather [hbm4b:s5+s3], $0x80, v4, vm0, $0xb8;
	[tilespmem:$0x19C70] =	vst v63  }
0x1e4: {  	_ = 	snop  }
0x1e5: {  	[tilespmem:s10], [sflag:$0x2] =	stream.indirect_vreg.gather [hbm4b:s6+s3], $0x80, v4, vm0, $0xb8;
	[tilespmem:$0x19C70] =	vst v63  }
0x1e6: {  	_ = 	snop  }
0x1e7: {  	[tilespmem:s21], [sflag:$0x2] =	stream.indirect_vreg.gather [hbm4b:s1+s3], $0x80, v3, vm0, $0xb8;
	[tilespmem:$0x19C70] =	vst v63  }
0x1e8: {  	s4 =	simm.s32 $0x17200  }
0x1e9: {  	[tilespmem:s4], [sflag:$0x2] =	stream.indirect_vreg.gather [hbm4b:s5+s3], $0x80, v3, vm0, $0xb8;
	[tilespmem:$0x19C70] =	vst v63  }
0x1ea: {  	s4 =	simm.s32 $0x17A00  }
0x1eb: {  	[tilespmem:s4], [sflag:$0x2] =	stream.indirect_vreg.gather [hbm4b:s6+s3], $0x80, v3, vm0, $0xb8;
	[tilespmem:$0x19C70] =	vst v63  }
0x1ec: {  	_ =	swait.ge [sflag:s24], $0xC000  }
0x1ed: {  	[sflag:s24] =	ssyncset.done $0x0  }
0x1ee: {  	s4 =	rddreg [dreg:$0xb];
	[sflag:s24] =	ssyncadd.s32 $0xFFFF4000  }
0x1ef: {  	[hbm4b:s4+s3] =	stream.linear.scatter [tilespmem:s2], [sflag:$0x3], $0xC000, $0x38;
	[tilespmem:$0x19C70] =	vst v63  }
0x1f0: {  	_ =	swait.ge [sflag:s25], $0xC000  }
0x1f1: {  	[sflag:s25] =	ssyncset.done $0x0  }
0x1f2: {  	[sflag:s25] =	ssyncadd.s32 $0xFFFF4000  }
0x1f3: {  	v3 =	vld [tilespmem:$0x160];
	_ =	sdelay $0x4  }
0x1f4: {  	v54 =	vshrl.u32 v3, $0x3  }
0x1f5: {  	v4 =	vmul.u32 $0x30, v54  }
0x1f6: {  	v3 =	vand.u32 $0x7, v3  }
0x1f7: {  	v3 =	vor.u32 v3, v4  }
0x1f8: {  	v4 =	vperm.xlane v3, v0;
	_ =	sdelay $0x1  }
0x1f9: {  	v4 =	vadd.s32 v1, v4;
	_ =	sdelay $0x3  }
0x1fa: {  	v3 =	vperm.xlane v3, v2  }
0x1fb: {  	[tilespmem:s2], [sflag:$0x1] =	stream.indirect_vreg.gather [hbm4b:s1+s3], $0x80, v4, vm0, $0xb8;
	[tilespmem:$0x19C70] =	vst v63  }
0x1fc: {  	s4 =	simm.s32 $0xA00;
	v3 =	vadd.s32 v1, v3  }
0x1fd: {  	[tilespmem:s4], [sflag:$0x1] =	stream.indirect_vreg.gather [hbm4b:s5+s3], $0x80, v4, vm0, $0xb8;
	[tilespmem:$0x19C70] =	vst v63  }
0x1fe: {  	s4 =	simm.s32 $0x1200  }
0x1ff: {  	[tilespmem:s4], [sflag:$0x1] =	stream.indirect_vreg.gather [hbm4b:s6+s3], $0x80, v4, vm0, $0xb8;
	[tilespmem:$0x19C70] =	vst v63  }
0x200: {  	s4 =	simm.s32 $0x1A00  }
0x201: {  	[tilespmem:s4], [sflag:$0x1] =	stream.indirect_vreg.gather [hbm4b:s1+s3], $0x80, v3, vm0, $0xb8;
	[tilespmem:$0x19C70] =	vst v63  }
0x202: {  	s4 =	simm.s32 $0x2200  }
0x203: {  	[tilespmem:s4], [sflag:$0x1] =	stream.indirect_vreg.gather [hbm4b:s5+s3], $0x80, v3, vm0, $0xb8;
	[tilespmem:$0x19C70] =	vst v63  }
0x204: {  	s4 =	simm.s32 $0x2A00  }
0x205: {  	[tilespmem:s4], [sflag:$0x1] =	stream.indirect_vreg.gather [hbm4b:s6+s3], $0x80, v3, vm0, $0xb8;
	[tilespmem:$0x19C70] =	vst v63  }
0x206: {  	v3 =	vld [tilespmem:$0x170];
	_ =	sdelay $0x4  }
0x207: {  	v55 =	vshrl.u32 v3, $0x3  }
0x208: {  	v4 =	vmul.u32 $0x30, v55  }
0x209: {  	v3 =	vand.u32 $0x7, v3  }
0x20a: {  	v3 =	vor.u32 v3, v4  }
0x20b: {  	v4 =	vperm.xlane v3, v0;
	_ =	sdelay $0x1  }
0x20c: {  	v4 =	vadd.s32 v1, v4;
	_ =	sdelay $0x3  }
0x20d: {  	s4 =	simm.s32 $0x3200;
	v3 =	vperm.xlane v3, v2  }
0x20e: {  	[tilespmem:s4], [sflag:$0x1] =	stream.indirect_vreg.gather [hbm4b:s1+s3], $0x80, v4, vm0, $0xb8;
	[tilespmem:$0x19C70] =	vst v63  }
0x20f: {  	v3 =	vadd.s32 v1, v3  }
0x210: {  	[tilespmem:s19], [sflag:$0x1] =	stream.indirect_vreg.gather [hbm4b:s5+s3], $0x80, v4, vm0, $0xb8;
	[tilespmem:$0x19C70] =	vst v63  }
0x211: {  	s4 =	simm.s32 $0x4200  }
0x212: {  	[tilespmem:s4], [sflag:$0x1] =	stream.indirect_vreg.gather [hbm4b:s6+s3], $0x80, v4, vm0, $0xb8;
	[tilespmem:$0x19C70] =	vst v63  }
0x213: {  	s4 =	simm.s32 $0x4A00  }
0x214: {  	[tilespmem:s4], [sflag:$0x1] =	stream.indirect_vreg.gather [hbm4b:s1+s3], $0x80, v3, vm0, $0xb8;
	[tilespmem:$0x19C70] =	vst v63  }
0x215: {  	s4 =	simm.s32 $0x5200  }
0x216: {  	[tilespmem:s4], [sflag:$0x1] =	stream.indirect_vreg.gather [hbm4b:s5+s3], $0x80, v3, vm0, $0xb8;
	[tilespmem:$0x19C70] =	vst v63  }
0x217: {  	s4 =	simm.s32 $0x5A00  }
0x218: {  	[tilespmem:s4], [sflag:$0x1] =	stream.indirect_vreg.gather [hbm4b:s6+s3], $0x80, v3, vm0, $0xb8;
	[tilespmem:$0x19C70] =	vst v63  }
0x219: {  	v3 =	vld [tilespmem:$0x180];
	_ =	sdelay $0x4  }
0x21a: {  	v56 =	vshrl.u32 v3, $0x3  }
0x21b: {  	v4 =	vmul.u32 $0x30, v56  }
0x21c: {  	v3 =	vand.u32 $0x7, v3  }
0x21d: {  	v3 =	vor.u32 v3, v4  }
0x21e: {  	v4 =	vperm.xlane v3, v0;
	_ =	sdelay $0x1  }
0x21f: {  	v4 =	vadd.s32 v1, v4;
	_ =	sdelay $0x3  }
0x220: {  	s4 =	simm.s32 $0x6200;
	v3 =	vperm.xlane v3, v2  }
0x221: {  	[tilespmem:s4], [sflag:$0x1] =	stream.indirect_vreg.gather [hbm4b:s1+s3], $0x80, v4, vm0, $0xb8;
	[tilespmem:$0x19C70] =	vst v63  }
0x222: {  	v3 =	vadd.s32 v1, v3;
	s4 =	simm.s32 $0x6A00  }
0x223: {  	[tilespmem:s4], [sflag:$0x1] =	stream.indirect_vreg.gather [hbm4b:s5+s3], $0x80, v4, vm0, $0xb8;
	[tilespmem:$0x19C70] =	vst v63  }
0x224: {  	s4 =	simm.s32 $0x7200  }
0x225: {  	[tilespmem:s4], [sflag:$0x1] =	stream.indirect_vreg.gather [hbm4b:s6+s3], $0x80, v4, vm0, $0xb8;
	[tilespmem:$0x19C70] =	vst v63  }
0x226: {  	s4 =	simm.s32 $0x7A00  }
0x227: {  	[tilespmem:s4], [sflag:$0x1] =	stream.indirect_vreg.gather [hbm4b:s1+s3], $0x80, v3, vm0, $0xb8;
	[tilespmem:$0x19C70] =	vst v63  }
0x228: {  	s4 =	simm.s32 $0x8200  }
0x229: {  	[tilespmem:s4], [sflag:$0x1] =	stream.indirect_vreg.gather [hbm4b:s5+s3], $0x80, v3, vm0, $0xb8;
	[tilespmem:$0x19C70] =	vst v63  }
0x22a: {  	s4 =	simm.s32 $0x8A00  }
0x22b: {  	[tilespmem:s4], [sflag:$0x1] =	stream.indirect_vreg.gather [hbm4b:s6+s3], $0x80, v3, vm0, $0xb8;
	[tilespmem:$0x19C70] =	vst v63  }
0x22c: {  	v3 =	vld [tilespmem:$0x190];
	_ =	sdelay $0x4  }
0x22d: {  	v57 =	vshrl.u32 v3, $0x3  }
0x22e: {  	v4 =	vmul.u32 $0x30, v57  }
0x22f: {  	v3 =	vand.u32 $0x7, v3  }
0x230: {  	v3 =	vor.u32 v3, v4  }
0x231: {  	v4 =	vperm.xlane v3, v0;
	_ =	sdelay $0x1  }
0x232: {  	v4 =	vadd.s32 v1, v4;
	_ =	sdelay $0x3  }
0x233: {  	s4 =	simm.s32 $0x9200;
	v3 =	vperm.xlane v3, v2  }
0x234: {  	[tilespmem:s4], [sflag:$0x1] =	stream.indirect_vreg.gather [hbm4b:s1+s3], $0x80, v4, vm0, $0xb8;
	[tilespmem:$0x19C70] =	vst v63  }
0x235: {  	v3 =	vadd.s32 v1, v3;
	s4 =	simm.s32 $0x9A00  }
0x236: {  	[tilespmem:s4], [sflag:$0x1] =	stream.indirect_vreg.gather [hbm4b:s5+s3], $0x80, v4, vm0, $0xb8;
	[tilespmem:$0x19C70] =	vst v63  }
0x237: {  	s4 =	simm.s32 $0xA200  }
0x238: {  	[tilespmem:s4], [sflag:$0x1] =	stream.indirect_vreg.gather [hbm4b:s6+s3], $0x80, v4, vm0, $0xb8;
	[tilespmem:$0x19C70] =	vst v63  }
0x239: {  	s4 =	simm.s32 $0xAA00  }
0x23a: {  	[tilespmem:s4], [sflag:$0x1] =	stream.indirect_vreg.gather [hbm4b:s1+s3], $0x80, v3, vm0, $0xb8;
	[tilespmem:$0x19C70] =	vst v63  }
0x23b: {  	s4 =	simm.s32 $0xB200  }
0x23c: {  	[tilespmem:s4], [sflag:$0x1] =	stream.indirect_vreg.gather [hbm4b:s5+s3], $0x80, v3, vm0, $0xb8;
	[tilespmem:$0x19C70] =	vst v63  }
0x23d: {  	s4 =	simm.s32 $0xBA00  }
0x23e: {  	[tilespmem:s4], [sflag:$0x1] =	stream.indirect_vreg.gather [hbm4b:s6+s3], $0x80, v3, vm0, $0xb8;
	[tilespmem:$0x19C70] =	vst v63  }
0x23f: {  	_ =	swait.ge [sflag:s26], $0xC000  }
0x240: {  	[sflag:s26] =	ssyncset.done $0x0  }
0x241: {  	s4 =	simm.s32 $0xC200;
	s0 =	rddreg [dreg:$0xc];
	[sflag:s26] =	ssyncadd.s32 $0xFFFF4000  }
0x242: {  	[hbm4b:s0+s3] =	stream.linear.scatter [tilespmem:s4], [sflag:$0x4], $0xC000, $0x38;
	[tilespmem:$0x19C70] =	vst v63  }
0x243: {  	_ =	swait.ge [sflag:s28], $0xC000  }
0x244: {  	[sflag:s28] =	ssyncset.done $0x0  }
0x245: {  	[sflag:s28] =	ssyncadd.s32 $0xFFFF4000  }
0x246: {  	v3 =	vld [tilespmem:$0x1A0];
	_ =	sdelay $0x4  }
0x247: {  	v58 =	vshrl.u32 v3, $0x3  }
0x248: {  	v4 =	vmul.u32 $0x30, v58  }
0x249: {  	v3 =	vand.u32 $0x7, v3  }
0x24a: {  	v3 =	vor.u32 v3, v4  }
0x24b: {  	v4 =	vperm.xlane v3, v0;
	_ =	sdelay $0x1  }
0x24c: {  	v4 =	vadd.s32 v1, v4;
	_ =	sdelay $0x3  }
0x24d: {  	v3 =	vperm.xlane v3, v2  }
0x24e: {  	[tilespmem:s4], [sflag:$0x2] =	stream.indirect_vreg.gather [hbm4b:s1+s3], $0x80, v4, vm0, $0xb8;
	[tilespmem:$0x19C70] =	vst v63  }
0x24f: {  	s0 =	simm.s32 $0xCA00;
	v3 =	vadd.s32 v1, v3  }
0x250: {  	[tilespmem:s0], [sflag:$0x2] =	stream.indirect_vreg.gather [hbm4b:s5+s3], $0x80, v4, vm0, $0xb8;
	[tilespmem:$0x19C70] =	vst v63  }
0x251: {  	s22 =	simm.s32 $0xD200  }
0x252: {  	[tilespmem:s22], [sflag:$0x2] =	stream.indirect_vreg.gather [hbm4b:s6+s3], $0x80, v4, vm0, $0xb8;
	[tilespmem:$0x19C70] =	vst v63  }
0x253: {  	s20 =	simm.s32 $0xDA00  }
0x254: {  	[tilespmem:s20], [sflag:$0x2] =	stream.indirect_vreg.gather [hbm4b:s1+s3], $0x80, v3, vm0, $0xb8;
	[tilespmem:$0x19C70] =	vst v63  }
0x255: {  	s18 =	simm.s32 $0xE200  }
0x256: {  	[tilespmem:s18], [sflag:$0x2] =	stream.indirect_vreg.gather [hbm4b:s5+s3], $0x80, v3, vm0, $0xb8;
	[tilespmem:$0x19C70] =	vst v63  }
0x257: {  	s23 =	simm.s32 $0xEA00  }
0x258: {  	[tilespmem:s23], [sflag:$0x2] =	stream.indirect_vreg.gather [hbm4b:s6+s3], $0x80, v3, vm0, $0xb8;
	[tilespmem:$0x19C70] =	vst v63  }
0x259: {  	v3 =	vld [tilespmem:$0x1B0];
	_ =	sdelay $0x4  }
0x25a: {  	v59 =	vshrl.u32 v3, $0x3  }
0x25b: {  	v4 =	vmul.u32 $0x30, v59  }
0x25c: {  	v3 =	vand.u32 $0x7, v3  }
0x25d: {  	v3 =	vor.u32 v3, v4  }
0x25e: {  	v4 =	vperm.xlane v3, v0;
	_ =	sdelay $0x1  }
0x25f: {  	v4 =	vadd.s32 v1, v4;
	_ =	sdelay $0x3  }
0x260: {  	s22 =	simm.s32 $0xF200;
	v3 =	vperm.xlane v3, v2  }
0x261: {  	[tilespmem:s22], [sflag:$0x2] =	stream.indirect_vreg.gather [hbm4b:s1+s3], $0x80, v4, vm0, $0xb8;
	[tilespmem:$0x19C70] =	vst v63  }
0x262: {  	s16 =	simm.s32 $0xFA00;
	v3 =	vadd.s32 v1, v3  }
0x263: {  	[tilespmem:s16], [sflag:$0x2] =	stream.indirect_vreg.gather [hbm4b:s5+s3], $0x80, v4, vm0, $0xb8;
	[tilespmem:$0x19C70] =	vst v63  }
0x264: {  	s9 =	simm.s32 $0x10200  }
0x265: {  	[tilespmem:s9], [sflag:$0x2] =	stream.indirect_vreg.gather [hbm4b:s6+s3], $0x80, v4, vm0, $0xb8;
	[tilespmem:$0x19C70] =	vst v63  }
0x266: {  	s8 =	simm.s32 $0x10A00  }
0x267: {  	[tilespmem:s8], [sflag:$0x2] =	stream.indirect_vreg.gather [hbm4b:s1+s3], $0x80, v3, vm0, $0xb8;
	[tilespmem:$0x19C70] =	vst v63  }
0x268: {  	s11 =	simm.s32 $0x11200  }
0x269: {  	[tilespmem:s11], [sflag:$0x2] =	stream.indirect_vreg.gather [hbm4b:s5+s3], $0x80, v3, vm0, $0xb8;
	[tilespmem:$0x19C70] =	vst v63  }
0x26a: {  	s30 =	simm.s32 $0x11A00  }
0x26b: {  	[tilespmem:s30], [sflag:$0x2] =	stream.indirect_vreg.gather [hbm4b:s6+s3], $0x80, v3, vm0, $0xb8;
	[tilespmem:$0x19C70] =	vst v63  }
0x26c: {  	v3 =	vld [tilespmem:$0x1C0];
	_ =	sdelay $0x4  }
0x26d: {  	v60 =	vshrl.u32 v3, $0x3  }
0x26e: {  	v4 =	vmul.u32 $0x30, v60  }
0x26f: {  	v3 =	vand.u32 $0x7, v3  }
0x270: {  	v3 =	vor.u32 v3, v4  }
0x271: {  	v4 =	vperm.xlane v3, v0;
	_ =	sdelay $0x1  }
0x272: {  	v4 =	vadd.s32 v1, v4;
	_ =	sdelay $0x3  }
0x273: {  	s31 =	simm.s32 $0x12200;
	v3 =	vperm.xlane v3, v2  }
0x274: {  	[tilespmem:s31], [sflag:$0x2] =	stream.indirect_vreg.gather [hbm4b:s1+s3], $0x80, v4, vm0, $0xb8;
	[tilespmem:$0x19C70] =	vst v63  }
0x275: {  	s12 =	simm.s32 $0x12A00;
	v3 =	vadd.s32 v1, v3  }
0x276: {  	[tilespmem:s12], [sflag:$0x2] =	stream.indirect_vreg.gather [hbm4b:s5+s3], $0x80, v4, vm0, $0xb8;
	[tilespmem:$0x19C70] =	vst v63  }
0x277: {  	s13 =	simm.s32 $0x13200  }
0x278: {  	[tilespmem:s13], [sflag:$0x2] =	stream.indirect_vreg.gather [hbm4b:s6+s3], $0x80, v4, vm0, $0xb8;
	[tilespmem:$0x19C70] =	vst v63  }
0x279: {  	s14 =	simm.s32 $0x13A00  }
0x27a: {  	[tilespmem:s14], [sflag:$0x2] =	stream.indirect_vreg.gather [hbm4b:s1+s3], $0x80, v3, vm0, $0xb8;
	[tilespmem:$0x19C70] =	vst v63  }
0x27b: {  	s15 =	simm.s32 $0x14200  }
0x27c: {  	[tilespmem:s15], [sflag:$0x2] =	stream.indirect_vreg.gather [hbm4b:s5+s3], $0x80, v3, vm0, $0xb8;
	[tilespmem:$0x19C70] =	vst v63  }
0x27d: {  	s17 =	simm.s32 $0x14A00  }
0x27e: {  	[tilespmem:s17], [sflag:$0x2] =	stream.indirect_vreg.gather [hbm4b:s6+s3], $0x80, v3, vm0, $0xb8;
	[tilespmem:$0x19C70] =	vst v63  }
0x27f: {  	v3 =	vld [tilespmem:$0x1D0];
	_ =	sdelay $0x4  }
0x280: {  	v61 =	vshrl.u32 v3, $0x3  }
0x281: {  	v4 =	vmul.u32 $0x30, v61  }
0x282: {  	v3 =	vand.u32 $0x7, v3  }
0x283: {  	v3 =	vor.u32 v3, v4  }
0x284: {  	v4 =	vperm.xlane v3, v0;
	_ =	sdelay $0x1  }
0x285: {  	v4 =	vadd.s32 v1, v4;
	_ =	sdelay $0x3  }
0x286: {  	s23 =	simm.s32 $0x15200;
	v3 =	vperm.xlane v3, v2  }
0x287: {  	[tilespmem:s23], [sflag:$0x2] =	stream.indirect_vreg.gather [hbm4b:s1+s3], $0x80, v4, vm0, $0xb8;
	[tilespmem:$0x19C70] =	vst v63  }
0x288: {  	s30 =	simm.s32 $0x15A00;
	v3 =	vadd.s32 v1, v3  }
0x289: {  	[tilespmem:s30], [sflag:$0x2] =	stream.indirect_vreg.gather [hbm4b:s5+s3], $0x80, v4, vm0, $0xb8;
	[tilespmem:$0x19C70] =	vst v63  }
0x28a: {  	s10 =	simm.s32 $0x16200  }
0x28b: {  	[tilespmem:s10], [sflag:$0x2] =	stream.indirect_vreg.gather [hbm4b:s6+s3], $0x80, v4, vm0, $0xb8;
	[tilespmem:$0x19C70] =	vst v63  }
0x28c: {  	s21 =	simm.s32 $0x16A00  }
0x28d: {  	[tilespmem:s21], [sflag:$0x2] =	stream.indirect_vreg.gather [hbm4b:s1+s3], $0x80, v3, vm0, $0xb8;
	[tilespmem:$0x19C70] =	vst v63  }
0x28e: {  	s31 =	simm.s32 $0x17200  }
0x28f: {  	[tilespmem:s31], [sflag:$0x2] =	stream.indirect_vreg.gather [hbm4b:s5+s3], $0x80, v3, vm0, $0xb8;
	[tilespmem:$0x19C70] =	vst v63  }
0x290: {  	s8 =	simm.s32 $0x17A00  }
0x291: {  	[tilespmem:s8], [sflag:$0x2] =	stream.indirect_vreg.gather [hbm4b:s6+s3], $0x80, v3, vm0, $0xb8;
	[tilespmem:$0x19C70] =	vst v63  }
0x292: {  	_ =	swait.ge [sflag:s24], $0xC000  }
0x293: {  	[sflag:s24] =	ssyncset.done $0x0  }
0x294: {  	s9 =	rddreg [dreg:$0xd];
	[sflag:s24] =	ssyncadd.s32 $0xFFFF4000  }
0x295: {  	[hbm4b:s9+s3] =	stream.linear.scatter [tilespmem:s2], [sflag:$0x3], $0xC000, $0x38;
	[tilespmem:$0x19C70] =	vst v63  }
0x296: {  	_ =	swait.ge [sflag:s25], $0xC000  }
0x297: {  	[sflag:s25] =	ssyncset.done $0x0  }
0x298: {  	[sflag:s25] =	ssyncadd.s32 $0xFFFF4000  }
0x299: {  	v3 =	vld [tilespmem:$0x1E0];
	_ =	sdelay $0x4  }
0x29a: {  	v62 =	vshrl.u32 v3, $0x3  }
0x29b: {  	v4 =	vmul.u32 $0x30, v62  }
0x29c: {  	v3 =	vand.u32 $0x7, v3  }
0x29d: {  	v3 =	vor.u32 v3, v4  }
0x29e: {  	v4 =	vperm.xlane v3, v0;
	_ =	sdelay $0x1  }
0x29f: {  	v4 =	vadd.s32 v1, v4;
	_ =	sdelay $0x3  }
0x2a0: {  	v3 =	vperm.xlane v3, v2  }
0x2a1: {  	[tilespmem:s2], [sflag:$0x1] =	stream.indirect_vreg.gather [hbm4b:s1+s3], $0x80, v4, vm0, $0xb8;
	[tilespmem:$0x19C70] =	vst v63  }
0x2a2: {  	s10 =	simm.s32 $0xA00;
	v3 =	vadd.s32 v1, v3  }
0x2a3: {  	[tilespmem:s10], [sflag:$0x1] =	stream.indirect_vreg.gather [hbm4b:s5+s3], $0x80, v4, vm0, $0xb8;
	[tilespmem:$0x19C70] =	vst v63  }
0x2a4: {  	s11 =	simm.s32 $0x1200  }
0x2a5: {  	[tilespmem:s11], [sflag:$0x1] =	stream.indirect_vreg.gather [hbm4b:s6+s3], $0x80, v4, vm0, $0xb8;
	[tilespmem:$0x19C70] =	vst v63  }
0x2a6: {  	s12 =	simm.s32 $0x1A00  }
0x2a7: {  	[tilespmem:s12], [sflag:$0x1] =	stream.indirect_vreg.gather [hbm4b:s1+s3], $0x80, v3, vm0, $0xb8;
	[tilespmem:$0x19C70] =	vst v63  }
0x2a8: {  	s13 =	simm.s32 $0x2200  }
0x2a9: {  	[tilespmem:s13], [sflag:$0x1] =	stream.indirect_vreg.gather [hbm4b:s5+s3], $0x80, v3, vm0, $0xb8;
	[tilespmem:$0x19C70] =	vst v63  }
0x2aa: {  	s14 =	simm.s32 $0x2A00  }
0x2ab: {  	[tilespmem:s14], [sflag:$0x1] =	stream.indirect_vreg.gather [hbm4b:s6+s3], $0x80, v3, vm0, $0xb8;
	[tilespmem:$0x19C70] =	vst v63  }
0x2ac: {  	v3 =	vld [tilespmem:$0x1F0];
	_ =	sdelay $0x4  }
0x2ad: {  	v63 =	vshrl.u32 v3, $0x3  }
0x2ae: {  	v4 =	vmul.u32 $0x30, v63  }
0x2af: {  	v3 =	vand.u32 $0x7, v3  }
0x2b0: {  	v3 =	vor.u32 v3, v4  }
0x2b1: {  	v4 =	vperm.xlane v3, v0;
	_ =	sdelay $0x1  }
0x2b2: {  	v4 =	vadd.s32 v1, v4;
	_ =	sdelay $0x3  }
0x2b3: {  	s15 =	simm.s32 $0x3200;
	v3 =	vperm.xlane v3, v2  }
0x2b4: {  	[tilespmem:s15], [sflag:$0x1] =	stream.indirect_vreg.gather [hbm4b:s1+s3], $0x80, v4, vm0, $0xb8;
	[tilespmem:$0x19C70] =	vst v63  }
0x2b5: {  	s19 =	simm.s32 $0x3A00;
	v3 =	vadd.s32 v1, v3  }
0x2b6: {  	[tilespmem:s19], [sflag:$0x1] =	stream.indirect_vreg.gather [hbm4b:s5+s3], $0x80, v4, vm0, $0xb8;
	[tilespmem:$0x19C70] =	vst v63  }
0x2b7: {  	s16 =	simm.s32 $0x4200  }
0x2b8: {  	[tilespmem:s16], [sflag:$0x1] =	stream.indirect_vreg.gather [hbm4b:s6+s3], $0x80, v4, vm0, $0xb8;
	[tilespmem:$0x19C70] =	vst v63  }
0x2b9: {  	s17 =	simm.s32 $0x4A00  }
0x2ba: {  	[tilespmem:s17], [sflag:$0x1] =	stream.indirect_vreg.gather [hbm4b:s1+s3], $0x80, v3, vm0, $0xb8;
	[tilespmem:$0x19C70] =	vst v63  }
0x2bb: {  	s18 =	simm.s32 $0x5200  }
0x2bc: {  	[tilespmem:s18], [sflag:$0x1] =	stream.indirect_vreg.gather [hbm4b:s5+s3], $0x80, v3, vm0, $0xb8;
	[tilespmem:$0x19C70] =	vst v63  }
0x2bd: {  	s19 =	simm.s32 $0x5A00  }
0x2be: {  	[tilespmem:s19], [sflag:$0x1] =	stream.indirect_vreg.gather [hbm4b:s6+s3], $0x80, v3, vm0, $0xb8;
	[tilespmem:$0x19C70] =	vst v63  }
0x2bf: {  	_ =	swait.ge [sflag:s26], $0xC000  }
0x2c0: {  	[sflag:s26] =	ssyncset.done $0x0  }
0x2c1: {  	s4 =	simm.s32 $0xC200;
	s20 =	rddreg [dreg:$0xe];
	[sflag:s26] =	ssyncadd.s32 $0xFFFF4000  }
0x2c2: {  	[hbm4b:s20+s3] =	stream.linear.scatter [tilespmem:s4], [sflag:$0x4], $0xC000, $0x38;
	[tilespmem:$0x19C70] =	vst v63  }
0x2c3: {  	_ =	swait.ge [sflag:s24], $0x6000  }
0x2c4: {  	[sflag:s24] =	ssyncset.done $0x0  }
0x2c5: {  	s21 =	rddreg [dreg:$0xf];
	[sflag:s24] =	ssyncadd.s32 $0xFFFFA000  }
0x2c6: {  	[hbm4b:s21+s3] =	stream.linear.scatter [tilespmem:s2], [sflag:$0x3], $0x6000, $0x38;
	[tilespmem:$0x19C70] =	vst v63  }
0x2c7: {  	_ =	swait.ge [sflag:s28], $0xC000  }
0x2c8: {  	[sflag:s28] =	ssyncset.done $0x0  }
0x2c9: {  	[sflag:s28] =	ssyncadd.s32 $0xFFFF4000  }
0x2ca: {  	_ =	swait.ge [sflag:s25], $0x6000  }
0x2cb: {  	[sflag:s25] =	ssyncset.done $0x0  }
0x2cc: {  	[sflag:s25] =	ssyncadd.s32 $0xFFFFA000  }
0x2cd: {  	_ =	swait.ge [sflag:s29], $0x80  }
0x2ce: {  	[sflag:s29] =	ssyncset.done $0x0  }
0x2cf: {  	[sflag:s29] =	ssyncadd.s32 $0xFFFFFF80  }
0x2d0: {  	_ =	swait.ge [sflag:s29], $0x80  }
0x2d1: {  	[sflag:s29] =	ssyncset.done $0x0  }
0x2d2: {  	[sflag:s29] =	ssyncadd.s32 $0xFFFFFF80  }
0x2d3: {  	_ =	swait.ge [sflag:s29], $0x80  }
0x2d4: {  	[sflag:s29] =	ssyncset.done $0x0  }
0x2d5: {  	s7 =	sadd.s32 $0xFFFFFFFF, s7;
	[sflag:s29] =	ssyncadd.s32 $0xFFFFFF80  }
0x2d6: {  	p1 =	sne.s32 s7, $0x0;
	_ =	swait.ge [sflag:s29], $0x80  }
0x2d7: {  	s23 =	simm.s32 $0x18200;
	s30 =	simm.s32 $0x6;
	[sflag:s29] =	ssyncset.done $0x0  }
.Ltmp0:
0x2d8: {  	s22 =	rddreg [dreg:$0x10];
	[sflag:s29] =	ssyncadd.s32 $0xFFFFFF80;
	(pc) =	sbr.rel @p1 .LBB2_1-.Ltmp0, $4  }
0x2d9: {  	[hbm4b:s22+s3] =	stream.linear.scatter [tilespmem:s23], [sflag:$0x6], $0x200, $0x38;
	[tilespmem:$0x19C70] =	vst v63  }
0x2da: {  	_ =	swait.ge [sflag:s30], $0x200  }
0x2db: {  	s31 =	simm.s32 $0x6;
	[sflag:s30] =	ssyncset.done $0x0  }
0x2dc: {  	[sflag:s31] =	ssyncadd.s32 $0xFFFFFE00  }
0x2dd: {  	_ =	sfence.sel $0x180000  }
0x2de: {  	[bflag:$0x0] =	sbarrier.arrive $0xFFFF  }
0x2df: {  	_ =	strace $0x90000047  }
0x2e0: {  	[bflag:$0x2] =	sbarrier.arrive $0xFFFF  }
0x2e1: {  	s0 =	rddreg [dreg:$0x5]  }
0x2e2: {  	s0 =	sadd.s32 @!p0 $0x100000, s0  }
0x2e3: {  	[sflag:s0] =	ssyncadd.tile.s32 @!p0 $0x1;
	_ =	shalt  }
.Lfunc_end2:
_tile_overlayer_lowered:
.L_overlay_start_2:
0x2e4: {  	(tag) =	ssettag $0x2  }
0x2e5: {  	s0 =	rddreg [dreg:$0x0];
	s2 =	stileid.u32  }
0x2e6: {  	s1 =	rddreg [dreg:$0x1];
	p0 =	sne.s32 s2, $0x0  }
0x2e7: {  	s3 =	rddreg [dreg:$0x2];
	[bflag:$0x3] =	sbarrier.arrive $0xFFFF;
	s2 =	simm.s32 @!p0 $0x1C06  }
0x2e8: {  	[timem:s3], [sflag:s2] =	dma.local @!p0 [hbm:s0], s1  }
0x2e9: {  	s0 =	simm.s32 @!p0 $0x6  }
0x2ea: {  	_ =	swait.ge @!p0 [sflag:s0], s1  }
0x2eb: {  	s1 =	ssub.s32 @!p0 $0x0, s1;
	[sflag:s0] =	ssyncset.done @!p0 $0x0  }
0x2ec: {  	[sflag:s0] =	ssyncadd.s32 @!p0 s1  }
0x2ed: {  	[bflag:$0x3] =	sbarrier.arrive $0xFFFF  }
0x2ee: {  	_ =	shalt  }

</sc_bundles>
